<compile_context>
chip_gen: v7x
topology: tpu7x:2x2x1
jax: 0.10.2.dev20260603
libtpu: 0.0.44.dev20260713+nightly
codegen_flags: <defaults>
</compile_context>

<pallas_src>
import functools

import jax
import jax.numpy as jnp
from jax import lax
from jax.experimental import pallas as pl
from jax.experimental.pallas import tpu as pltpu
from jax.experimental.pallas import tpu_sc as plsc

N_NODES = 10000
N_PAD = 10240
D_FEAT = 128
N_EDGES = 320000
BLK = 128
E_PAD = 327680
NBLK = E_PAD // BLK
NCORE = 2
NSUB = 16
NB = NBLK // (NCORE * NSUB)
ZCHUNK = 128

_mesh = plsc.VectorSubcoreMesh(core_axis_name="c", subcore_axis_name="s")


@functools.partial(
    pl.kernel,
    mesh=_mesh,
    out_type=jax.ShapeDtypeStruct((NCORE, N_PAD, D_FEAT), jnp.float32),
    scratch_types=[
        pltpu.VMEM((NB // 2, BLK), jnp.int32),
        pltpu.VMEM((NB // 2, BLK), jnp.int32),
        pltpu.VMEM((BLK, D_FEAT), jnp.float32),
        pltpu.VMEM((BLK, D_FEAT), jnp.float32),
        pltpu.VMEM_SHARED((N_PAD, D_FEAT), jnp.float32),
        pltpu.SemaphoreType.DMA,
        pltpu.SemaphoreType.DMA,
    ],
)
def _sc_agg(x_hbm, src_hbm, dst_hbm, out_hbm,
            srcb, dstb, rows0, rows1, acc_sh, gsem0, gsem1):
    c = lax.axis_index("c")
    s = lax.axis_index("s")
    rows = (rows0, rows1)
    gsem = (gsem0, gsem1)
    rpt = N_PAD // NSUB
    start_blk = c * (NBLK // NCORE) + s * NB
    half = NB // 2

    def zrow(i, carry):
        for j in range(D_FEAT // 16):
            rows0[i, pl.ds(j * 16, 16)] = jnp.zeros((16,), jnp.float32)
        return carry

    lax.fori_loop(0, ZCHUNK, zrow, 0)
    for k in range(rpt // ZCHUNK):
        pltpu.sync_copy(
            rows0, acc_sh.at[pl.ds(s * rpt + k * ZCHUNK, ZCHUNK)])
    plsc.subcore_barrier()

    for p in range(2):
        pltpu.sync_copy(src_hbm.at[pl.ds(start_blk + p * half, half)], srcb)
        pltpu.sync_copy(dst_hbm.at[pl.ds(start_blk + p * half, half)], dstb)
        pltpu.async_copy(x_hbm.at[srcb.at[0]], rows0, gsem0)
        pltpu.async_copy(x_hbm.at[srcb.at[1]], rows1, gsem1)

        def pair(g, carry):
            for b in range(2):
                j = 2 * g + b
                pltpu.make_async_copy(
                    x_hbm.at[srcb.at[j]], rows[b], gsem[b]).wait()
                pltpu.sync_copy(rows[b], acc_sh.at[dstb.at[j]], add=True)
                pltpu.async_copy(x_hbm.at[srcb.at[j + 2]], rows[b], gsem[b])
            return carry

        lax.fori_loop(0, half // 2 - 1, pair, 0)
        for b in range(2):
            j = half - 2 + b
            pltpu.make_async_copy(
                x_hbm.at[srcb.at[j]], rows[b], gsem[b]).wait()
            pltpu.sync_copy(rows[b], acc_sh.at[dstb.at[j]], add=True)

    plsc.subcore_barrier()
    pltpu.sync_copy(
        acc_sh.at[pl.ds(s * rpt, rpt)],
        out_hbm.at[c, pl.ds(s * rpt, rpt)])


def _add_body(a_ref, b_ref, o_ref):
    o_ref[...] = a_ref[...] + b_ref[...]


_tc_add = pl.pallas_call(
    _add_body,
    out_shape=jax.ShapeDtypeStruct((N_PAD, D_FEAT), jnp.float32),
    grid=(10,),
    in_specs=[
        pl.BlockSpec((N_PAD // 10, D_FEAT), lambda i: (i, 0)),
        pl.BlockSpec((N_PAD // 10, D_FEAT), lambda i: (i, 0)),
    ],
    out_specs=pl.BlockSpec((N_PAD // 10, D_FEAT), lambda i: (i, 0)),
)


def kernel(x, edge_index):
    src = edge_index[0].astype(jnp.int32)
    dst = edge_index[1].astype(jnp.int32)
    pad = E_PAD - N_EDGES
    pad_idx = N_NODES + (jnp.arange(pad, dtype=jnp.int32) % (N_PAD - N_NODES))
    src1 = jnp.concatenate([src, pad_idx]).reshape(NBLK, BLK)
    dst1 = jnp.concatenate([dst, pad_idx]).reshape(NBLK, BLK)
    xp = jnp.pad(x, ((0, N_PAD - N_NODES), (0, 0)))
    parts = _sc_agg(xp, src1, dst1)
    out = _tc_add(parts[0], parts[1])
    return out[:N_NODES]

# --- scband reference (transcript-rebuilt; emitter-appended) ---
"""Pipeline reference for scband-aggregation-module-48644799595012 (READ-ONLY COPY).

The authoritative reference and input builder live on the scoring server;
editing this copy changes nothing except your own understanding.
"""

import jax, jax.numpy as jnp
import numpy as np

N_NODES = 10000
D_FEAT = 128
N_EDGES = 320000


def setup_inputs(seed: int = 0) -> dict:
    key = jax.random.key(seed)
    k1, k2 = jax.random.split(key)
    x = jax.random.normal(k1, (N_NODES, D_FEAT), dtype=jnp.float32)
    edge_index = jax.random.randint(k2, (2, N_EDGES), 0, N_NODES, dtype=jnp.int64)
    return {"x": x, "edge_index": edge_index}


def reference(x, edge_index):
    # DGL update_all with copy-src message + sum reduce + identity apply:
    #   message:  m_e = x[src_e]            (gather over source nodes)
    #   reduce:   agg_msg_v = sum over incoming edges of m_e  (scatter-add by dst)
    #   apply:    hid_v = agg_msg_v         (identity / device move)
    src = edge_index[0]
    dst = edge_index[1]
    msg = jnp.take(x, src, axis=0)
    agg_msg = jax.ops.segment_sum(msg, dst, num_segments=x.shape[0])
    hid = agg_msg
    return hid

if __name__ == "__main__":
    import jax
    _d = setup_inputs()
    print(jax.jit(kernel)(*tuple(_d.values())))

</pallas_src>

<mosaic_0001>
#map = affine_map<(d0, d1) -> (0, 0)>
#map1 = affine_map<(d0, d1) -> (0, 0, 0)>
module attributes {stable_mosaic.version = 14 : i64} {
  func.func @_sc_agg(%arg0: i32, %arg1: i32, %arg2: memref<10240x128xf32, #tpu.memory_space<hbm>>, %arg3: memref<2560x128xi32, #tpu.memory_space<hbm>>, %arg4: memref<2560x128xi32, #tpu.memory_space<hbm>>, %arg5: memref<2x10240x128xf32, #tpu.memory_space<hbm>>, %arg6: memref<40x128xi32, #tpu.memory_space<vmem>>, %arg7: memref<40x128xi32, #tpu.memory_space<vmem>>, %arg8: memref<128x128xf32, #tpu.memory_space<vmem>>, %arg9: memref<128x128xf32, #tpu.memory_space<vmem>>, %arg10: memref<10240x128xf32, #tpu.memory_space<vmem_shared>>, %arg11: memref<!tpu.dma_semaphore, #tpu.memory_space<semaphore_mem>>, %arg12: memref<!tpu.dma_semaphore, #tpu.memory_space<semaphore_mem>>) attributes {dimension_semantics = [#tpu.dimension_semantics<core_parallel>, #tpu.dimension_semantics<subcore_parallel>], iteration_bounds = array<i64: 2, 16>, scalar_prefetch = 0 : i64, scratch_operands = 7 : i64, tpu.core_type = #tpu.core_type<sc_vector_subcore>, window_params = [{transform_indices = #map}, {transform_indices = #map}, {transform_indices = #map}, {transform_indices = #map1}]} {
    %mul3A = arith.constant 1280 : i32
    %mul3A_0 = arith.muli %arg0, %mul3A : i32
    %mul3A_1 = arith.constant 80 : i32
    %mul3A_2 = arith.muli %arg1, %mul3A_1 : i32
    %add3A = arith.addi %mul3A_0, %mul3A_2 : i32
    %scan3A = arith.constant 0 : i32
    %scan3A_3 = arith.constant 0 : i32
    %scan3A_4 = arith.constant 128 : i32
    %scan3A_5 = arith.addi %scan3A_3, %scan3A_4 : i32
    %scan3A_6 = arith.constant 1 : i32
    scf.for %scan3A_110 = %scan3A_3 to %scan3A_5 step %scan3A_6  : i32 {
      %broadcast_in_dim3A = arith.constant 0.000000e+00 : f32
      %broadcast_in_dim3A_111 = vector.broadcast %broadcast_in_dim3A : f32 to vector<16xf32>
      %swap3A = arith.index_cast %scan3A_110 : i32 to index
      %swap3A_112 = arith.constant 0 : index
      %swap3A_113 = tpu.vector_load %arg8[%swap3A, %swap3A_112] {strides = array<i32>} : memref<128x128xf32, #tpu.memory_space<vmem>>, vector<1x16xf32>,
      %swap3A_114 = vector.shape_cast %swap3A_113 : vector<1x16xf32> to vector<16xf32>
      %swap3A_115 = vector.shape_cast %broadcast_in_dim3A_111 : vector<16xf32> to vector<1x16xf32>
      tpu.vector_store %arg8[%swap3A, %swap3A_112], %swap3A_115 {strides = array<i32>} : memref<128x128xf32, #tpu.memory_space<vmem>>, vector<1x16xf32>,
      %broadcast_in_dim3A_116 = arith.constant 0.000000e+00 : f32
      %broadcast_in_dim3A_117 = vector.broadcast %broadcast_in_dim3A_116 : f32 to vector<16xf32>
      %swap3A_118 = arith.index_cast %scan3A_110 : i32 to index
      %swap3A_119 = arith.constant 16 : index
      %swap3A_120 = tpu.vector_load %arg8[%swap3A_118, %swap3A_119] {strides = array<i32>} : memref<128x128xf32, #tpu.memory_space<vmem>>, vector<1x16xf32>,
      %swap3A_121 = vector.shape_cast %swap3A_120 : vector<1x16xf32> to vector<16xf32>
      %swap3A_122 = vector.shape_cast %broadcast_in_dim3A_117 : vector<16xf32> to vector<1x16xf32>
      tpu.vector_store %arg8[%swap3A_118, %swap3A_119], %swap3A_122 {strides = array<i32>} : memref<128x128xf32, #tpu.memory_space<vmem>>, vector<1x16xf32>,
      %broadcast_in_dim3A_123 = arith.constant 0.000000e+00 : f32
      %broadcast_in_dim3A_124 = vector.broadcast %broadcast_in_dim3A_123 : f32 to vector<16xf32>
      %swap3A_125 = arith.index_cast %scan3A_110 : i32 to index
      %swap3A_126 = arith.constant 32 : index
      %swap3A_127 = tpu.vector_load %arg8[%swap3A_125, %swap3A_126] {strides = array<i32>} : memref<128x128xf32, #tpu.memory_space<vmem>>, vector<1x16xf32>,
      %swap3A_128 = vector.shape_cast %swap3A_127 : vector<1x16xf32> to vector<16xf32>
      %swap3A_129 = vector.shape_cast %broadcast_in_dim3A_124 : vector<16xf32> to vector<1x16xf32>
      tpu.vector_store %arg8[%swap3A_125, %swap3A_126], %swap3A_129 {strides = array<i32>} : memref<128x128xf32, #tpu.memory_space<vmem>>, vector<1x16xf32>,
      %broadcast_in_dim3A_130 = arith.constant 0.000000e+00 : f32
      %broadcast_in_dim3A_131 = vector.broadcast %broadcast_in_dim3A_130 : f32 to vector<16xf32>
      %swap3A_132 = arith.index_cast %scan3A_110 : i32 to index
      %swap3A_133 = arith.constant 48 : index
      %swap3A_134 = tpu.vector_load %arg8[%swap3A_132, %swap3A_133] {strides = array<i32>} : memref<128x128xf32, #tpu.memory_space<vmem>>, vector<1x16xf32>,
      %swap3A_135 = vector.shape_cast %swap3A_134 : vector<1x16xf32> to vector<16xf32>
      %swap3A_136 = vector.shape_cast %broadcast_in_dim3A_131 : vector<16xf32> to vector<1x16xf32>
      tpu.vector_store %arg8[%swap3A_132, %swap3A_133], %swap3A_136 {strides = array<i32>} : memref<128x128xf32, #tpu.memory_space<vmem>>, vector<1x16xf32>,
      %broadcast_in_dim3A_137 = arith.constant 0.000000e+00 : f32
      %broadcast_in_dim3A_138 = vector.broadcast %broadcast_in_dim3A_137 : f32 to vector<16xf32>
      %swap3A_139 = arith.index_cast %scan3A_110 : i32 to index
      %swap3A_140 = arith.constant 64 : index
      %swap3A_141 = tpu.vector_load %arg8[%swap3A_139, %swap3A_140] {strides = array<i32>} : memref<128x128xf32, #tpu.memory_space<vmem>>, vector<1x16xf32>,
      %swap3A_142 = vector.shape_cast %swap3A_141 : vector<1x16xf32> to vector<16xf32>
      %swap3A_143 = vector.shape_cast %broadcast_in_dim3A_138 : vector<16xf32> to vector<1x16xf32>
      tpu.vector_store %arg8[%swap3A_139, %swap3A_140], %swap3A_143 {strides = array<i32>} : memref<128x128xf32, #tpu.memory_space<vmem>>, vector<1x16xf32>,
      %broadcast_in_dim3A_144 = arith.constant 0.000000e+00 : f32
      %broadcast_in_dim3A_145 = vector.broadcast %broadcast_in_dim3A_144 : f32 to vector<16xf32>
      %swap3A_146 = arith.index_cast %scan3A_110 : i32 to index
      %swap3A_147 = arith.constant 80 : index
      %swap3A_148 = tpu.vector_load %arg8[%swap3A_146, %swap3A_147] {strides = array<i32>} : memref<128x128xf32, #tpu.memory_space<vmem>>, vector<1x16xf32>,
      %swap3A_149 = vector.shape_cast %swap3A_148 : vector<1x16xf32> to vector<16xf32>
      %swap3A_150 = vector.shape_cast %broadcast_in_dim3A_145 : vector<16xf32> to vector<1x16xf32>
      tpu.vector_store %arg8[%swap3A_146, %swap3A_147], %swap3A_150 {strides = array<i32>} : memref<128x128xf32, #tpu.memory_space<vmem>>, vector<1x16xf32>,
      %broadcast_in_dim3A_151 = arith.constant 0.000000e+00 : f32
      %broadcast_in_dim3A_152 = vector.broadcast %broadcast_in_dim3A_151 : f32 to vector<16xf32>
      %swap3A_153 = arith.index_cast %scan3A_110 : i32 to index
      %swap3A_154 = arith.constant 96 : index
      %swap3A_155 = tpu.vector_load %arg8[%swap3A_153, %swap3A_154] {strides = array<i32>} : memref<128x128xf32, #tpu.memory_space<vmem>>, vector<1x16xf32>,
      %swap3A_156 = vector.shape_cast %swap3A_155 : vector<1x16xf32> to vector<16xf32>
      %swap3A_157 = vector.shape_cast %broadcast_in_dim3A_152 : vector<16xf32> to vector<1x16xf32>
      tpu.vector_store %arg8[%swap3A_153, %swap3A_154], %swap3A_157 {strides = array<i32>} : memref<128x128xf32, #tpu.memory_space<vmem>>, vector<1x16xf32>,
      %broadcast_in_dim3A_158 = arith.constant 0.000000e+00 : f32
      %broadcast_in_dim3A_159 = vector.broadcast %broadcast_in_dim3A_158 : f32 to vector<16xf32>
      %swap3A_160 = arith.index_cast %scan3A_110 : i32 to index
      %swap3A_161 = arith.constant 112 : index
      %swap3A_162 = tpu.vector_load %arg8[%swap3A_160, %swap3A_161] {strides = array<i32>} : memref<128x128xf32, #tpu.memory_space<vmem>>, vector<1x16xf32>,
      %swap3A_163 = vector.shape_cast %swap3A_162 : vector<1x16xf32> to vector<16xf32>
      %swap3A_164 = vector.shape_cast %broadcast_in_dim3A_159 : vector<16xf32> to vector<1x16xf32>
      tpu.vector_store %arg8[%swap3A_160, %swap3A_161], %swap3A_164 {strides = array<i32>} : memref<128x128xf32, #tpu.memory_space<vmem>>, vector<1x16xf32>,
    }
    %scan3A_7 = arith.constant 128 : i32
    %mul3A_8 = arith.constant 640 : i32
    %mul3A_9 = arith.muli %arg1, %mul3A_8 : i32
    %add3A_10 = arith.constant 0 : i32
    %add3A_11 = arith.addi %mul3A_9, %add3A_10 : i32
    "tpu.region"() ({
      %run_scoped3A_110 = tpu.sem_alloc : memref<!tpu.dma_semaphore, #tpu.memory_space<semaphore_mem>>
      %dma_start3A_111 = arith.constant 0 : i32
      %dma_start3A_112 = tpu.memref_slice %arg10[%add3A_11, %dma_start3A_111] : memref<10240x128xf32, #tpu.memory_space<vmem_shared>> -> memref<128x128xf32, #tpu.memory_space<vmem_shared>>
      %dma_start3A_113 = arith.constant 0 : i32
      %dma_start3A_114 = tpu.memref_slice %arg10[%add3A_11, %dma_start3A_113] : memref<10240x128xf32, #tpu.memory_space<vmem_shared>> -> memref<128x128xf32, #tpu.memory_space<vmem_shared>>
      tpu.enqueue_dma source(%arg8 : memref<128x128xf32, #tpu.memory_space<vmem>>) target(%dma_start3A_114 : memref<128x128xf32, #tpu.memory_space<vmem_shared>>) target_semaphore(%run_scoped3A_110 : memref<!tpu.dma_semaphore, #tpu.memory_space<semaphore_mem>>)
      %dma_wait3A_115 = arith.constant 0 : i32
      %dma_wait3A_116 = tpu.memref_slice %arg10[%add3A_11, %dma_wait3A_115] : memref<10240x128xf32, #tpu.memory_space<vmem_shared>> -> memref<128x128xf32, #tpu.memory_space<vmem_shared>>
      %dma_wait3A_117 = arith.constant 0 : i32
      %dma_wait3A_118 = tpu.memref_slice %arg10[%add3A_11, %dma_wait3A_117] : memref<10240x128xf32, #tpu.memory_space<vmem_shared>> -> memref<128x128xf32, #tpu.memory_space<vmem_shared>>
      tpu.wait_dma2 semaphore(%run_scoped3A_110 : memref<!tpu.dma_semaphore, #tpu.memory_space<semaphore_mem>>) src(%arg8 : memref<128x128xf32, #tpu.memory_space<vmem>>) dst(%dma_wait3A_118 : memref<128x128xf32, #tpu.memory_space<vmem_shared>>)
      tpu.yield
    }) : () -> ()
    %mul3A_12 = arith.constant 640 : i32
    %mul3A_13 = arith.muli %arg1, %mul3A_12 : i32
    %add3A_14 = arith.constant 128 : i32
    %add3A_15 = arith.addi %mul3A_13, %add3A_14 : i32
    "tpu.region"() ({
      %run_scoped3A_110 = tpu.sem_alloc : memref<!tpu.dma_semaphore, #tpu.memory_space<semaphore_mem>>
      %dma_start3A_111 = arith.constant 0 : i32
      %dma_start3A_112 = tpu.memref_slice %arg10[%add3A_15, %dma_start3A_111] : memref<10240x128xf32, #tpu.memory_space<vmem_shared>> -> memref<128x128xf32, #tpu.memory_space<vmem_shared>>
      %dma_start3A_113 = arith.constant 0 : i32
      %dma_start3A_114 = tpu.memref_slice %arg10[%add3A_15, %dma_start3A_113] : memref<10240x128xf32, #tpu.memory_space<vmem_shared>> -> memref<128x128xf32, #tpu.memory_space<vmem_shared>>
      tpu.enqueue_dma source(%arg8 : memref<128x128xf32, #tpu.memory_space<vmem>>) target(%dma_start3A_114 : memref<128x128xf32, #tpu.memory_space<vmem_shared>>) target_semaphore(%run_scoped3A_110 : memref<!tpu.dma_semaphore, #tpu.memory_space<semaphore_mem>>)
      %dma_wait3A_115 = arith.constant 0 : i32
      %dma_wait3A_116 = tpu.memref_slice %arg10[%add3A_15, %dma_wait3A_115] : memref<10240x128xf32, #tpu.memory_space<vmem_shared>> -> memref<128x128xf32, #tpu.memory_space<vmem_shared>>
      %dma_wait3A_117 = arith.constant 0 : i32
      %dma_wait3A_118 = tpu.memref_slice %arg10[%add3A_15, %dma_wait3A_117] : memref<10240x128xf32, #tpu.memory_space<vmem_shared>> -> memref<128x128xf32, #tpu.memory_space<vmem_shared>>
      tpu.wait_dma2 semaphore(%run_scoped3A_110 : memref<!tpu.dma_semaphore, #tpu.memory_space<semaphore_mem>>) src(%arg8 : memref<128x128xf32, #tpu.memory_space<vmem>>) dst(%dma_wait3A_118 : memref<128x128xf32, #tpu.memory_space<vmem_shared>>)
      tpu.yield
    }) : () -> ()
    %mul3A_16 = arith.constant 640 : i32
    %mul3A_17 = arith.muli %arg1, %mul3A_16 : i32
    %add3A_18 = arith.constant 256 : i32
    %add3A_19 = arith.addi %mul3A_17, %add3A_18 : i32
    "tpu.region"() ({
      %run_scoped3A_110 = tpu.sem_alloc : memref<!tpu.dma_semaphore, #tpu.memory_space<semaphore_mem>>
      %dma_start3A_111 = arith.constant 0 : i32
      %dma_start3A_112 = tpu.memref_slice %arg10[%add3A_19, %dma_start3A_111] : memref<10240x128xf32, #tpu.memory_space<vmem_shared>> -> memref<128x128xf32, #tpu.memory_space<vmem_shared>>
      %dma_start3A_113 = arith.constant 0 : i32
      %dma_start3A_114 = tpu.memref_slice %arg10[%add3A_19, %dma_start3A_113] : memref<10240x128xf32, #tpu.memory_space<vmem_shared>> -> memref<128x128xf32, #tpu.memory_space<vmem_shared>>
      tpu.enqueue_dma source(%arg8 : memref<128x128xf32, #tpu.memory_space<vmem>>) target(%dma_start3A_114 : memref<128x128xf32, #tpu.memory_space<vmem_shared>>) target_semaphore(%run_scoped3A_110 : memref<!tpu.dma_semaphore, #tpu.memory_space<semaphore_mem>>)
      %dma_wait3A_115 = arith.constant 0 : i32
      %dma_wait3A_116 = tpu.memref_slice %arg10[%add3A_19, %dma_wait3A_115] : memref<10240x128xf32, #tpu.memory_space<vmem_shared>> -> memref<128x128xf32, #tpu.memory_space<vmem_shared>>
      %dma_wait3A_117 = arith.constant 0 : i32
      %dma_wait3A_118 = tpu.memref_slice %arg10[%add3A_19, %dma_wait3A_117] : memref<10240x128xf32, #tpu.memory_space<vmem_shared>> -> memref<128x128xf32, #tpu.memory_space<vmem_shared>>
      tpu.wait_dma2 semaphore(%run_scoped3A_110 : memref<!tpu.dma_semaphore, #tpu.memory_space<semaphore_mem>>) src(%arg8 : memref<128x128xf32, #tpu.memory_space<vmem>>) dst(%dma_wait3A_118 : memref<128x128xf32, #tpu.memory_space<vmem_shared>>)
      tpu.yield
    }) : () -> ()
    %mul3A_20 = arith.constant 640 : i32
    %mul3A_21 = arith.muli %arg1, %mul3A_20 : i32
    %add3A_22 = arith.constant 384 : i32
    %add3A_23 = arith.addi %mul3A_21, %add3A_22 : i32
    "tpu.region"() ({
      %run_scoped3A_110 = tpu.sem_alloc : memref<!tpu.dma_semaphore, #tpu.memory_space<semaphore_mem>>
      %dma_start3A_111 = arith.constant 0 : i32
      %dma_start3A_112 = tpu.memref_slice %arg10[%add3A_23, %dma_start3A_111] : memref<10240x128xf32, #tpu.memory_space<vmem_shared>> -> memref<128x128xf32, #tpu.memory_space<vmem_shared>>
      %dma_start3A_113 = arith.constant 0 : i32
      %dma_start3A_114 = tpu.memref_slice %arg10[%add3A_23, %dma_start3A_113] : memref<10240x128xf32, #tpu.memory_space<vmem_shared>> -> memref<128x128xf32, #tpu.memory_space<vmem_shared>>
      tpu.enqueue_dma source(%arg8 : memref<128x128xf32, #tpu.memory_space<vmem>>) target(%dma_start3A_114 : memref<128x128xf32, #tpu.memory_space<vmem_shared>>) target_semaphore(%run_scoped3A_110 : memref<!tpu.dma_semaphore, #tpu.memory_space<semaphore_mem>>)
      %dma_wait3A_115 = arith.constant 0 : i32
      %dma_wait3A_116 = tpu.memref_slice %arg10[%add3A_23, %dma_wait3A_115] : memref<10240x128xf32, #tpu.memory_space<vmem_shared>> -> memref<128x128xf32, #tpu.memory_space<vmem_shared>>
      %dma_wait3A_117 = arith.constant 0 : i32
      %dma_wait3A_118 = tpu.memref_slice %arg10[%add3A_23, %dma_wait3A_117] : memref<10240x128xf32, #tpu.memory_space<vmem_shared>> -> memref<128x128xf32, #tpu.memory_space<vmem_shared>>
      tpu.wait_dma2 semaphore(%run_scoped3A_110 : memref<!tpu.dma_semaphore, #tpu.memory_space<semaphore_mem>>) src(%arg8 : memref<128x128xf32, #tpu.memory_space<vmem>>) dst(%dma_wait3A_118 : memref<128x128xf32, #tpu.memory_space<vmem_shared>>)
      tpu.yield
    }) : () -> ()
    %mul3A_24 = arith.constant 640 : i32
    %mul3A_25 = arith.muli %arg1, %mul3A_24 : i32
    %add3A_26 = arith.constant 512 : i32
    %add3A_27 = arith.addi %mul3A_25, %add3A_26 : i32
    "tpu.region"() ({
      %run_scoped3A_110 = tpu.sem_alloc : memref<!tpu.dma_semaphore, #tpu.memory_space<semaphore_mem>>
      %dma_start3A_111 = arith.constant 0 : i32
      %dma_start3A_112 = tpu.memref_slice %arg10[%add3A_27, %dma_start3A_111] : memref<10240x128xf32, #tpu.memory_space<vmem_shared>> -> memref<128x128xf32, #tpu.memory_space<vmem_shared>>
      %dma_start3A_113 = arith.constant 0 : i32
      %dma_start3A_114 = tpu.memref_slice %arg10[%add3A_27, %dma_start3A_113] : memref<10240x128xf32, #tpu.memory_space<vmem_shared>> -> memref<128x128xf32, #tpu.memory_space<vmem_shared>>
      tpu.enqueue_dma source(%arg8 : memref<128x128xf32, #tpu.memory_space<vmem>>) target(%dma_start3A_114 : memref<128x128xf32, #tpu.memory_space<vmem_shared>>) target_semaphore(%run_scoped3A_110 : memref<!tpu.dma_semaphore, #tpu.memory_space<semaphore_mem>>)
      %dma_wait3A_115 = arith.constant 0 : i32
      %dma_wait3A_116 = tpu.memref_slice %arg10[%add3A_27, %dma_wait3A_115] : memref<10240x128xf32, #tpu.memory_space<vmem_shared>> -> memref<128x128xf32, #tpu.memory_space<vmem_shared>>
      %dma_wait3A_117 = arith.constant 0 : i32
      %dma_wait3A_118 = tpu.memref_slice %arg10[%add3A_27, %dma_wait3A_117] : memref<10240x128xf32, #tpu.memory_space<vmem_shared>> -> memref<128x128xf32, #tpu.memory_space<vmem_shared>>
      tpu.wait_dma2 semaphore(%run_scoped3A_110 : memref<!tpu.dma_semaphore, #tpu.memory_space<semaphore_mem>>) src(%arg8 : memref<128x128xf32, #tpu.memory_space<vmem>>) dst(%dma_wait3A_118 : memref<128x128xf32, #tpu.memory_space<vmem_shared>>)
      tpu.yield
    }) : () -> ()
    %barrier3A = arith.constant 0 : index
    tpu.barrier barrier_id(%barrier3A)
    %add3A_28 = arith.constant 0 : i32
    %add3A_29 = arith.addi %add3A, %add3A_28 : i32
    "tpu.region"() ({
      %run_scoped3A_110 = tpu.sem_alloc : memref<!tpu.dma_semaphore, #tpu.memory_space<semaphore_mem>>
      %dma_start3A_111 = arith.constant 0 : i32
      %dma_start3A_112 = tpu.memref_slice %arg3[%add3A_29, %dma_start3A_111] : memref<2560x128xi32, #tpu.memory_space<hbm>> -> memref<40x128xi32, #tpu.memory_space<hbm>>
      %dma_start3A_113 = arith.constant 0 : i32
      %dma_start3A_114 = tpu.memref_slice %arg3[%add3A_29, %dma_start3A_113] : memref<2560x128xi32, #tpu.memory_space<hbm>> -> memref<40x128xi32, #tpu.memory_space<hbm>>
      tpu.enqueue_dma source(%dma_start3A_114 : memref<40x128xi32, #tpu.memory_space<hbm>>) target(%arg6 : memref<40x128xi32, #tpu.memory_space<vmem>>) target_semaphore(%run_scoped3A_110 : memref<!tpu.dma_semaphore, #tpu.memory_space<semaphore_mem>>)
      %dma_wait3A_115 = arith.constant 0 : i32
      %dma_wait3A_116 = tpu.memref_slice %arg3[%add3A_29, %dma_wait3A_115] : memref<2560x128xi32, #tpu.memory_space<hbm>> -> memref<40x128xi32, #tpu.memory_space<hbm>>
      %dma_wait3A_117 = arith.constant 0 : i32
      %dma_wait3A_118 = tpu.memref_slice %arg3[%add3A_29, %dma_wait3A_117] : memref<2560x128xi32, #tpu.memory_space<hbm>> -> memref<40x128xi32, #tpu.memory_space<hbm>>
      tpu.wait_dma2 semaphore(%run_scoped3A_110 : memref<!tpu.dma_semaphore, #tpu.memory_space<semaphore_mem>>) src(%dma_wait3A_118 : memref<40x128xi32, #tpu.memory_space<hbm>>) dst(%arg6 : memref<40x128xi32, #tpu.memory_space<vmem>>)
      tpu.yield
    }) : () -> ()
    %add3A_30 = arith.constant 0 : i32
    %add3A_31 = arith.addi %add3A, %add3A_30 : i32
    "tpu.region"() ({
      %run_scoped3A_110 = tpu.sem_alloc : memref<!tpu.dma_semaphore, #tpu.memory_space<semaphore_mem>>
      %dma_start3A_111 = arith.constant 0 : i32
      %dma_start3A_112 = tpu.memref_slice %arg4[%add3A_31, %dma_start3A_111] : memref<2560x128xi32, #tpu.memory_space<hbm>> -> memref<40x128xi32, #tpu.memory_space<hbm>>
      %dma_start3A_113 = arith.constant 0 : i32
      %dma_start3A_114 = tpu.memref_slice %arg4[%add3A_31, %dma_start3A_113] : memref<2560x128xi32, #tpu.memory_space<hbm>> -> memref<40x128xi32, #tpu.memory_space<hbm>>
      tpu.enqueue_dma source(%dma_start3A_114 : memref<40x128xi32, #tpu.memory_space<hbm>>) target(%arg7 : memref<40x128xi32, #tpu.memory_space<vmem>>) target_semaphore(%run_scoped3A_110 : memref<!tpu.dma_semaphore, #tpu.memory_space<semaphore_mem>>)
      %dma_wait3A_115 = arith.constant 0 : i32
      %dma_wait3A_116 = tpu.memref_slice %arg4[%add3A_31, %dma_wait3A_115] : memref<2560x128xi32, #tpu.memory_space<hbm>> -> memref<40x128xi32, #tpu.memory_space<hbm>>
      %dma_wait3A_117 = arith.constant 0 : i32
      %dma_wait3A_118 = tpu.memref_slice %arg4[%add3A_31, %dma_wait3A_117] : memref<2560x128xi32, #tpu.memory_space<hbm>> -> memref<40x128xi32, #tpu.memory_space<hbm>>
      tpu.wait_dma2 semaphore(%run_scoped3A_110 : memref<!tpu.dma_semaphore, #tpu.memory_space<semaphore_mem>>) src(%dma_wait3A_118 : memref<40x128xi32, #tpu.memory_space<hbm>>) dst(%arg7 : memref<40x128xi32, #tpu.memory_space<vmem>>)
      tpu.yield
    }) : () -> ()
    %dma_start3A = arith.constant 0 : i32
    %dma_start3A_32 = arith.constant 0 : i32
    %dma_start3A_33 = tpu.memref_slice %arg6[%dma_start3A, %dma_start3A_32] : memref<40x128xi32, #tpu.memory_space<vmem>> -> memref<1x128xi32, #tpu.memory_space<vmem>>
    %dma_start3A_34 = tpu.memref_squeeze %dma_start3A_33 : memref<1x128xi32, #tpu.memory_space<vmem>> -> memref<128xi32, #tpu.memory_space<vmem>>
    %dma_start3A_35 = arith.constant 0 : i32
    %dma_start3A_36 = arith.constant 0 : i32
    %dma_start3A_37 = tpu.memref_slice %arg2[%dma_start3A_35, %dma_start3A_36] : memref<10240x128xf32, #tpu.memory_space<hbm>> -> memref<10240x128xf32, #tpu.memory_space<hbm>>
    tpu.enqueue_indirect_dma source(%dma_start3A_37 : memref<10240x128xf32, #tpu.memory_space<hbm>>) target(%arg8 : memref<128x128xf32, #tpu.memory_space<vmem>>) offsets(%dma_start3A_34 : memref<128xi32, #tpu.memory_space<vmem>>) semaphore(%arg11 : memref<!tpu.dma_semaphore, #tpu.memory_space<semaphore_mem>>)
    %dma_start3A_38 = arith.constant 1 : i32
    %dma_start3A_39 = arith.constant 0 : i32
    %dma_start3A_40 = tpu.memref_slice %arg6[%dma_start3A_38, %dma_start3A_39] : memref<40x128xi32, #tpu.memory_space<vmem>> -> memref<1x128xi32, #tpu.memory_space<vmem>>
    %dma_start3A_41 = tpu.memref_squeeze %dma_start3A_40 : memref<1x128xi32, #tpu.memory_space<vmem>> -> memref<128xi32, #tpu.memory_space<vmem>>
    %dma_start3A_42 = arith.constant 0 : i32
    %dma_start3A_43 = arith.constant 0 : i32
    %dma_start3A_44 = tpu.memref_slice %arg2[%dma_start3A_42, %dma_start3A_43] : memref<10240x128xf32, #tpu.memory_space<hbm>> -> memref<10240x128xf32, #tpu.memory_space<hbm>>
    tpu.enqueue_indirect_dma source(%dma_start3A_44 : memref<10240x128xf32, #tpu.memory_space<hbm>>) target(%arg9 : memref<128x128xf32, #tpu.memory_space<vmem>>) offsets(%dma_start3A_41 : memref<128xi32, #tpu.memory_space<vmem>>) semaphore(%arg12 : memref<!tpu.dma_semaphore, #tpu.memory_space<semaphore_mem>>)
    %scan3A_45 = arith.constant 0 : i32
    %scan3A_46 = arith.constant 0 : i32
    %scan3A_47 = arith.constant 19 : i32
    %scan3A_48 = arith.addi %scan3A_46, %scan3A_47 : i32
    %scan3A_49 = arith.constant 1 : i32
    scf.for %scan3A_110 = %scan3A_46 to %scan3A_48 step %scan3A_49  : i32 {
      %mul3A_111 = arith.constant 2 : i32
      %mul3A_112 = arith.muli %mul3A_111, %scan3A_110 : i32
      %add3A_113 = arith.constant 0 : i32
      %add3A_114 = arith.addi %mul3A_112, %add3A_113 : i32
      %dma_wait3A_115 = arith.constant 0 : i32
      %dma_wait3A_116 = tpu.memref_slice %arg6[%add3A_114, %dma_wait3A_115] : memref<40x128xi32, #tpu.memory_space<vmem>> -> memref<1x128xi32, #tpu.memory_space<vmem>>
      %dma_wait3A_117 = tpu.memref_squeeze %dma_wait3A_116 : memref<1x128xi32, #tpu.memory_space<vmem>> -> memref<128xi32, #tpu.memory_space<vmem>>
      %dma_wait3A_118 = arith.constant 0 : i32
      %dma_wait3A_119 = arith.constant 0 : i32
      %dma_wait3A_120 = tpu.memref_slice %arg2[%dma_wait3A_118, %dma_wait3A_119] : memref<10240x128xf32, #tpu.memory_space<hbm>> -> memref<10240x128xf32, #tpu.memory_space<hbm>>
      tpu.wait_indirect_dma semaphore(%arg11 : memref<!tpu.dma_semaphore, #tpu.memory_space<semaphore_mem>>) src(%dma_wait3A_120 : memref<10240x128xf32, #tpu.memory_space<hbm>>) dst(%arg8 : memref<128x128xf32, #tpu.memory_space<vmem>>)
      "tpu.region"() ({
        %run_scoped3A_147 = tpu.sem_alloc : memref<!tpu.dma_semaphore, #tpu.memory_space<semaphore_mem>>
        %dma_start3A_148 = arith.constant 0 : i32
        %dma_start3A_149 = tpu.memref_slice %arg7[%add3A_114, %dma_start3A_148] : memref<40x128xi32, #tpu.memory_space<vmem>> -> memref<1x128xi32, #tpu.memory_space<vmem>>
        %dma_start3A_150 = tpu.memref_squeeze %dma_start3A_149 : memref<1x128xi32, #tpu.memory_space<vmem>> -> memref<128xi32, #tpu.memory_space<vmem>>
        %dma_start3A_151 = arith.constant 0 : i32
        %dma_start3A_152 = arith.constant 0 : i32
        %dma_start3A_153 = tpu.memref_slice %arg10[%dma_start3A_151, %dma_start3A_152] : memref<10240x128xf32, #tpu.memory_space<vmem_shared>> -> memref<10240x128xf32, #tpu.memory_space<vmem_shared>>
        tpu.enqueue_indirect_dma source(%arg8 : memref<128x128xf32, #tpu.memory_space<vmem>>) target(%dma_start3A_153 : memref<10240x128xf32, #tpu.memory_space<vmem_shared>>) offsets(%dma_start3A_150 : memref<128xi32, #tpu.memory_space<vmem>>) semaphore(%run_scoped3A_147 : memref<!tpu.dma_semaphore, #tpu.memory_space<semaphore_mem>>) {add = true}
        %dma_wait3A_154 = arith.constant 0 : i32
        %dma_wait3A_155 = tpu.memref_slice %arg7[%add3A_114, %dma_wait3A_154] : memref<40x128xi32, #tpu.memory_space<vmem>> -> memref<1x128xi32, #tpu.memory_space<vmem>>
        %dma_wait3A_156 = tpu.memref_squeeze %dma_wait3A_155 : memref<1x128xi32, #tpu.memory_space<vmem>> -> memref<128xi32, #tpu.memory_space<vmem>>
        %dma_wait3A_157 = arith.constant 0 : i32
        %dma_wait3A_158 = arith.constant 0 : i32
        %dma_wait3A_159 = tpu.memref_slice %arg10[%dma_wait3A_157, %dma_wait3A_158] : memref<10240x128xf32, #tpu.memory_space<vmem_shared>> -> memref<10240x128xf32, #tpu.memory_space<vmem_shared>>
        tpu.wait_indirect_dma semaphore(%run_scoped3A_147 : memref<!tpu.dma_semaphore, #tpu.memory_space<semaphore_mem>>) src(%arg8 : memref<128x128xf32, #tpu.memory_space<vmem>>) dst(%dma_wait3A_159 : memref<10240x128xf32, #tpu.memory_space<vmem_shared>>)
        tpu.yield
      }) : () -> ()
      %add3A_121 = arith.constant 2 : i32
      %add3A_122 = arith.addi %add3A_114, %add3A_121 : i32
      %dma_start3A_123 = arith.constant 0 : i32
      %dma_start3A_124 = tpu.memref_slice %arg6[%add3A_122, %dma_start3A_123] : memref<40x128xi32, #tpu.memory_space<vmem>> -> memref<1x128xi32, #tpu.memory_space<vmem>>
      %dma_start3A_125 = tpu.memref_squeeze %dma_start3A_124 : memref<1x128xi32, #tpu.memory_space<vmem>> -> memref<128xi32, #tpu.memory_space<vmem>>
      %dma_start3A_126 = arith.constant 0 : i32
      %dma_start3A_127 = arith.constant 0 : i32
      %dma_start3A_128 = tpu.memref_slice %arg2[%dma_start3A_126, %dma_start3A_127] : memref<10240x128xf32, #tpu.memory_space<hbm>> -> memref<10240x128xf32, #tpu.memory_space<hbm>>
      tpu.enqueue_indirect_dma source(%dma_start3A_128 : memref<10240x128xf32, #tpu.memory_space<hbm>>) target(%arg8 : memref<128x128xf32, #tpu.memory_space<vmem>>) offsets(%dma_start3A_125 : memref<128xi32, #tpu.memory_space<vmem>>) semaphore(%arg11 : memref<!tpu.dma_semaphore, #tpu.memory_space<semaphore_mem>>)
      %mul3A_129 = arith.constant 2 : i32
      %mul3A_130 = arith.muli %mul3A_129, %scan3A_110 : i32
      %add3A_131 = arith.constant 1 : i32
      %add3A_132 = arith.addi %mul3A_130, %add3A_131 : i32
      %dma_wait3A_133 = arith.constant 0 : i32
      %dma_wait3A_134 = tpu.memref_slice %arg6[%add3A_132, %dma_wait3A_133] : memref<40x128xi32, #tpu.memory_space<vmem>> -> memref<1x128xi32, #tpu.memory_space<vmem>>
      %dma_wait3A_135 = tpu.memref_squeeze %dma_wait3A_134 : memref<1x128xi32, #tpu.memory_space<vmem>> -> memref<128xi32, #tpu.memory_space<vmem>>
      %dma_wait3A_136 = arith.constant 0 : i32
      %dma_wait3A_137 = arith.constant 0 : i32
      %dma_wait3A_138 = tpu.memref_slice %arg2[%dma_wait3A_136, %dma_wait3A_137] : memref<10240x128xf32, #tpu.memory_space<hbm>> -> memref<10240x128xf32, #tpu.memory_space<hbm>>
      tpu.wait_indirect_dma semaphore(%arg12 : memref<!tpu.dma_semaphore, #tpu.memory_space<semaphore_mem>>) src(%dma_wait3A_138 : memref<10240x128xf32, #tpu.memory_space<hbm>>) dst(%arg9 : memref<128x128xf32, #tpu.memory_space<vmem>>)
      "tpu.region"() ({
        %run_scoped3A_147 = tpu.sem_alloc : memref<!tpu.dma_semaphore, #tpu.memory_space<semaphore_mem>>
        %dma_start3A_148 = arith.constant 0 : i32
        %dma_start3A_149 = tpu.memref_slice %arg7[%add3A_132, %dma_start3A_148] : memref<40x128xi32, #tpu.memory_space<vmem>> -> memref<1x128xi32, #tpu.memory_space<vmem>>
        %dma_start3A_150 = tpu.memref_squeeze %dma_start3A_149 : memref<1x128xi32, #tpu.memory_space<vmem>> -> memref<128xi32, #tpu.memory_space<vmem>>
        %dma_start3A_151 = arith.constant 0 : i32
        %dma_start3A_152 = arith.constant 0 : i32
        %dma_start3A_153 = tpu.memref_slice %arg10[%dma_start3A_151, %dma_start3A_152] : memref<10240x128xf32, #tpu.memory_space<vmem_shared>> -> memref<10240x128xf32, #tpu.memory_space<vmem_shared>>
        tpu.enqueue_indirect_dma source(%arg9 : memref<128x128xf32, #tpu.memory_space<vmem>>) target(%dma_start3A_153 : memref<10240x128xf32, #tpu.memory_space<vmem_shared>>) offsets(%dma_start3A_150 : memref<128xi32, #tpu.memory_space<vmem>>) semaphore(%run_scoped3A_147 : memref<!tpu.dma_semaphore, #tpu.memory_space<semaphore_mem>>) {add = true}
        %dma_wait3A_154 = arith.constant 0 : i32
        %dma_wait3A_155 = tpu.memref_slice %arg7[%add3A_132, %dma_wait3A_154] : memref<40x128xi32, #tpu.memory_space<vmem>> -> memref<1x128xi32, #tpu.memory_space<vmem>>
        %dma_wait3A_156 = tpu.memref_squeeze %dma_wait3A_155 : memref<1x128xi32, #tpu.memory_space<vmem>> -> memref<128xi32, #tpu.memory_space<vmem>>
        %dma_wait3A_157 = arith.constant 0 : i32
        %dma_wait3A_158 = arith.constant 0 : i32
        %dma_wait3A_159 = tpu.memref_slice %arg10[%dma_wait3A_157, %dma_wait3A_158] : memref<10240x128xf32, #tpu.memory_space<vmem_shared>> -> memref<10240x128xf32, #tpu.memory_space<vmem_shared>>
        tpu.wait_indirect_dma semaphore(%run_scoped3A_147 : memref<!tpu.dma_semaphore, #tpu.memory_space<semaphore_mem>>) src(%arg9 : memref<128x128xf32, #tpu.memory_space<vmem>>) dst(%dma_wait3A_159 : memref<10240x128xf32, #tpu.memory_space<vmem_shared>>)
        tpu.yield
      }) : () -> ()
      %add3A_139 = arith.constant 2 : i32
      %add3A_140 = arith.addi %add3A_132, %add3A_139 : i32
      %dma_start3A_141 = arith.constant 0 : i32
      %dma_start3A_142 = tpu.memref_slice %arg6[%add3A_140, %dma_start3A_141] : memref<40x128xi32, #tpu.memory_space<vmem>> -> memref<1x128xi32, #tpu.memory_space<vmem>>
      %dma_start3A_143 = tpu.memref_squeeze %dma_start3A_142 : memref<1x128xi32, #tpu.memory_space<vmem>> -> memref<128xi32, #tpu.memory_space<vmem>>
      %dma_start3A_144 = arith.constant 0 : i32
      %dma_start3A_145 = arith.constant 0 : i32
      %dma_start3A_146 = tpu.memref_slice %arg2[%dma_start3A_144, %dma_start3A_145] : memref<10240x128xf32, #tpu.memory_space<hbm>> -> memref<10240x128xf32, #tpu.memory_space<hbm>>
      tpu.enqueue_indirect_dma source(%dma_start3A_146 : memref<10240x128xf32, #tpu.memory_space<hbm>>) target(%arg9 : memref<128x128xf32, #tpu.memory_space<vmem>>) offsets(%dma_start3A_143 : memref<128xi32, #tpu.memory_space<vmem>>) semaphore(%arg12 : memref<!tpu.dma_semaphore, #tpu.memory_space<semaphore_mem>>)
    }
    %scan3A_50 = arith.constant 19 : i32
    %dma_wait3A = arith.constant 38 : i32
    %dma_wait3A_51 = arith.constant 0 : i32
    %dma_wait3A_52 = tpu.memref_slice %arg6[%dma_wait3A, %dma_wait3A_51] : memref<40x128xi32, #tpu.memory_space<vmem>> -> memref<1x128xi32, #tpu.memory_space<vmem>>
    %dma_wait3A_53 = tpu.memref_squeeze %dma_wait3A_52 : memref<1x128xi32, #tpu.memory_space<vmem>> -> memref<128xi32, #tpu.memory_space<vmem>>
    %dma_wait3A_54 = arith.constant 0 : i32
    %dma_wait3A_55 = arith.constant 0 : i32
    %dma_wait3A_56 = tpu.memref_slice %arg2[%dma_wait3A_54, %dma_wait3A_55] : memref<10240x128xf32, #tpu.memory_space<hbm>> -> memref<10240x128xf32, #tpu.memory_space<hbm>>
    tpu.wait_indirect_dma semaphore(%arg11 : memref<!tpu.dma_semaphore, #tpu.memory_space<semaphore_mem>>) src(%dma_wait3A_56 : memref<10240x128xf32, #tpu.memory_space<hbm>>) dst(%arg8 : memref<128x128xf32, #tpu.memory_space<vmem>>)
    %run_scoped3A = arith.constant 38 : i32
    "tpu.region"() ({
      %run_scoped3A_110 = tpu.sem_alloc : memref<!tpu.dma_semaphore, #tpu.memory_space<semaphore_mem>>
      %dma_start3A_111 = arith.constant 0 : i32
      %dma_start3A_112 = tpu.memref_slice %arg7[%run_scoped3A, %dma_start3A_111] : memref<40x128xi32, #tpu.memory_space<vmem>> -> memref<1x128xi32, #tpu.memory_space<vmem>>
      %dma_start3A_113 = tpu.memref_squeeze %dma_start3A_112 : memref<1x128xi32, #tpu.memory_space<vmem>> -> memref<128xi32, #tpu.memory_space<vmem>>
      %dma_start3A_114 = arith.constant 0 : i32
      %dma_start3A_115 = arith.constant 0 : i32
      %dma_start3A_116 = tpu.memref_slice %arg10[%dma_start3A_114, %dma_start3A_115] : memref<10240x128xf32, #tpu.memory_space<vmem_shared>> -> memref<10240x128xf32, #tpu.memory_space<vmem_shared>>
      tpu.enqueue_indirect_dma source(%arg8 : memref<128x128xf32, #tpu.memory_space<vmem>>) target(%dma_start3A_116 : memref<10240x128xf32, #tpu.memory_space<vmem_shared>>) offsets(%dma_start3A_113 : memref<128xi32, #tpu.memory_space<vmem>>) semaphore(%run_scoped3A_110 : memref<!tpu.dma_semaphore, #tpu.memory_space<semaphore_mem>>) {add = true}
      %dma_wait3A_117 = arith.constant 0 : i32
      %dma_wait3A_118 = tpu.memref_slice %arg7[%run_scoped3A, %dma_wait3A_117] : memref<40x128xi32, #tpu.memory_space<vmem>> -> memref<1x128xi32, #tpu.memory_space<vmem>>
      %dma_wait3A_119 = tpu.memref_squeeze %dma_wait3A_118 : memref<1x128xi32, #tpu.memory_space<vmem>> -> memref<128xi32, #tpu.memory_space<vmem>>
      %dma_wait3A_120 = arith.constant 0 : i32
      %dma_wait3A_121 = arith.constant 0 : i32
      %dma_wait3A_122 = tpu.memref_slice %arg10[%dma_wait3A_120, %dma_wait3A_121] : memref<10240x128xf32, #tpu.memory_space<vmem_shared>> -> memref<10240x128xf32, #tpu.memory_space<vmem_shared>>
      tpu.wait_indirect_dma semaphore(%run_scoped3A_110 : memref<!tpu.dma_semaphore, #tpu.memory_space<semaphore_mem>>) src(%arg8 : memref<128x128xf32, #tpu.memory_space<vmem>>) dst(%dma_wait3A_122 : memref<10240x128xf32, #tpu.memory_space<vmem_shared>>)
      tpu.yield
    }) : () -> ()
    %dma_wait3A_57 = arith.constant 39 : i32
    %dma_wait3A_58 = arith.constant 0 : i32
    %dma_wait3A_59 = tpu.memref_slice %arg6[%dma_wait3A_57, %dma_wait3A_58] : memref<40x128xi32, #tpu.memory_space<vmem>> -> memref<1x128xi32, #tpu.memory_space<vmem>>
    %dma_wait3A_60 = tpu.memref_squeeze %dma_wait3A_59 : memref<1x128xi32, #tpu.memory_space<vmem>> -> memref<128xi32, #tpu.memory_space<vmem>>
    %dma_wait3A_61 = arith.constant 0 : i32
    %dma_wait3A_62 = arith.constant 0 : i32
    %dma_wait3A_63 = tpu.memref_slice %arg2[%dma_wait3A_61, %dma_wait3A_62] : memref<10240x128xf32, #tpu.memory_space<hbm>> -> memref<10240x128xf32, #tpu.memory_space<hbm>>
    tpu.wait_indirect_dma semaphore(%arg12 : memref<!tpu.dma_semaphore, #tpu.memory_space<semaphore_mem>>) src(%dma_wait3A_63 : memref<10240x128xf32, #tpu.memory_space<hbm>>) dst(%arg9 : memref<128x128xf32, #tpu.memory_space<vmem>>)
    %run_scoped3A_64 = arith.constant 39 : i32
    "tpu.region"() ({
      %run_scoped3A_110 = tpu.sem_alloc : memref<!tpu.dma_semaphore, #tpu.memory_space<semaphore_mem>>
      %dma_start3A_111 = arith.constant 0 : i32
      %dma_start3A_112 = tpu.memref_slice %arg7[%run_scoped3A_64, %dma_start3A_111] : memref<40x128xi32, #tpu.memory_space<vmem>> -> memref<1x128xi32, #tpu.memory_space<vmem>>
      %dma_start3A_113 = tpu.memref_squeeze %dma_start3A_112 : memref<1x128xi32, #tpu.memory_space<vmem>> -> memref<128xi32, #tpu.memory_space<vmem>>
      %dma_start3A_114 = arith.constant 0 : i32
      %dma_start3A_115 = arith.constant 0 : i32
      %dma_start3A_116 = tpu.memref_slice %arg10[%dma_start3A_114, %dma_start3A_115] : memref<10240x128xf32, #tpu.memory_space<vmem_shared>> -> memref<10240x128xf32, #tpu.memory_space<vmem_shared>>
      tpu.enqueue_indirect_dma source(%arg9 : memref<128x128xf32, #tpu.memory_space<vmem>>) target(%dma_start3A_116 : memref<10240x128xf32, #tpu.memory_space<vmem_shared>>) offsets(%dma_start3A_113 : memref<128xi32, #tpu.memory_space<vmem>>) semaphore(%run_scoped3A_110 : memref<!tpu.dma_semaphore, #tpu.memory_space<semaphore_mem>>) {add = true}
      %dma_wait3A_117 = arith.constant 0 : i32
      %dma_wait3A_118 = tpu.memref_slice %arg7[%run_scoped3A_64, %dma_wait3A_117] : memref<40x128xi32, #tpu.memory_space<vmem>> -> memref<1x128xi32, #tpu.memory_space<vmem>>
      %dma_wait3A_119 = tpu.memref_squeeze %dma_wait3A_118 : memref<1x128xi32, #tpu.memory_space<vmem>> -> memref<128xi32, #tpu.memory_space<vmem>>
      %dma_wait3A_120 = arith.constant 0 : i32
      %dma_wait3A_121 = arith.constant 0 : i32
      %dma_wait3A_122 = tpu.memref_slice %arg10[%dma_wait3A_120, %dma_wait3A_121] : memref<10240x128xf32, #tpu.memory_space<vmem_shared>> -> memref<10240x128xf32, #tpu.memory_space<vmem_shared>>
      tpu.wait_indirect_dma semaphore(%run_scoped3A_110 : memref<!tpu.dma_semaphore, #tpu.memory_space<semaphore_mem>>) src(%arg9 : memref<128x128xf32, #tpu.memory_space<vmem>>) dst(%dma_wait3A_122 : memref<10240x128xf32, #tpu.memory_space<vmem_shared>>)
      tpu.yield
    }) : () -> ()
    %add3A_65 = arith.constant 40 : i32
    %add3A_66 = arith.addi %add3A, %add3A_65 : i32
    "tpu.region"() ({
      %run_scoped3A_110 = tpu.sem_alloc : memref<!tpu.dma_semaphore, #tpu.memory_space<semaphore_mem>>
      %dma_start3A_111 = arith.constant 0 : i32
      %dma_start3A_112 = tpu.memref_slice %arg3[%add3A_66, %dma_start3A_111] : memref<2560x128xi32, #tpu.memory_space<hbm>> -> memref<40x128xi32, #tpu.memory_space<hbm>>
      %dma_start3A_113 = arith.constant 0 : i32
      %dma_start3A_114 = tpu.memref_slice %arg3[%add3A_66, %dma_start3A_113] : memref<2560x128xi32, #tpu.memory_space<hbm>> -> memref<40x128xi32, #tpu.memory_space<hbm>>
      tpu.enqueue_dma source(%dma_start3A_114 : memref<40x128xi32, #tpu.memory_space<hbm>>) target(%arg6 : memref<40x128xi32, #tpu.memory_space<vmem>>) target_semaphore(%run_scoped3A_110 : memref<!tpu.dma_semaphore, #tpu.memory_space<semaphore_mem>>)
      %dma_wait3A_115 = arith.constant 0 : i32
      %dma_wait3A_116 = tpu.memref_slice %arg3[%add3A_66, %dma_wait3A_115] : memref<2560x128xi32, #tpu.memory_space<hbm>> -> memref<40x128xi32, #tpu.memory_space<hbm>>
      %dma_wait3A_117 = arith.constant 0 : i32
      %dma_wait3A_118 = tpu.memref_slice %arg3[%add3A_66, %dma_wait3A_117] : memref<2560x128xi32, #tpu.memory_space<hbm>> -> memref<40x128xi32, #tpu.memory_space<hbm>>
      tpu.wait_dma2 semaphore(%run_scoped3A_110 : memref<!tpu.dma_semaphore, #tpu.memory_space<semaphore_mem>>) src(%dma_wait3A_118 : memref<40x128xi32, #tpu.memory_space<hbm>>) dst(%arg6 : memref<40x128xi32, #tpu.memory_space<vmem>>)
      tpu.yield
    }) : () -> ()
    %add3A_67 = arith.constant 40 : i32
    %add3A_68 = arith.addi %add3A, %add3A_67 : i32
    "tpu.region"() ({
      %run_scoped3A_110 = tpu.sem_alloc : memref<!tpu.dma_semaphore, #tpu.memory_space<semaphore_mem>>
      %dma_start3A_111 = arith.constant 0 : i32
      %dma_start3A_112 = tpu.memref_slice %arg4[%add3A_68, %dma_start3A_111] : memref<2560x128xi32, #tpu.memory_space<hbm>> -> memref<40x128xi32, #tpu.memory_space<hbm>>
      %dma_start3A_113 = arith.constant 0 : i32
      %dma_start3A_114 = tpu.memref_slice %arg4[%add3A_68, %dma_start3A_113] : memref<2560x128xi32, #tpu.memory_space<hbm>> -> memref<40x128xi32, #tpu.memory_space<hbm>>
      tpu.enqueue_dma source(%dma_start3A_114 : memref<40x128xi32, #tpu.memory_space<hbm>>) target(%arg7 : memref<40x128xi32, #tpu.memory_space<vmem>>) target_semaphore(%run_scoped3A_110 : memref<!tpu.dma_semaphore, #tpu.memory_space<semaphore_mem>>)
      %dma_wait3A_115 = arith.constant 0 : i32
      %dma_wait3A_116 = tpu.memref_slice %arg4[%add3A_68, %dma_wait3A_115] : memref<2560x128xi32, #tpu.memory_space<hbm>> -> memref<40x128xi32, #tpu.memory_space<hbm>>
      %dma_wait3A_117 = arith.constant 0 : i32
      %dma_wait3A_118 = tpu.memref_slice %arg4[%add3A_68, %dma_wait3A_117] : memref<2560x128xi32, #tpu.memory_space<hbm>> -> memref<40x128xi32, #tpu.memory_space<hbm>>
      tpu.wait_dma2 semaphore(%run_scoped3A_110 : memref<!tpu.dma_semaphore, #tpu.memory_space<semaphore_mem>>) src(%dma_wait3A_118 : memref<40x128xi32, #tpu.memory_space<hbm>>) dst(%arg7 : memref<40x128xi32, #tpu.memory_space<vmem>>)
      tpu.yield
    }) : () -> ()
    %dma_start3A_69 = arith.constant 0 : i32
    %dma_start3A_70 = arith.constant 0 : i32
    %dma_start3A_71 = tpu.memref_slice %arg6[%dma_start3A_69, %dma_start3A_70] : memref<40x128xi32, #tpu.memory_space<vmem>> -> memref<1x128xi32, #tpu.memory_space<vmem>>
    %dma_start3A_72 = tpu.memref_squeeze %dma_start3A_71 : memref<1x128xi32, #tpu.memory_space<vmem>> -> memref<128xi32, #tpu.memory_space<vmem>>
    %dma_start3A_73 = arith.constant 0 : i32
    %dma_start3A_74 = arith.constant 0 : i32
    %dma_start3A_75 = tpu.memref_slice %arg2[%dma_start3A_73, %dma_start3A_74] : memref<10240x128xf32, #tpu.memory_space<hbm>> -> memref<10240x128xf32, #tpu.memory_space<hbm>>
    tpu.enqueue_indirect_dma source(%dma_start3A_75 : memref<10240x128xf32, #tpu.memory_space<hbm>>) target(%arg8 : memref<128x128xf32, #tpu.memory_space<vmem>>) offsets(%dma_start3A_72 : memref<128xi32, #tpu.memory_space<vmem>>) semaphore(%arg11 : memref<!tpu.dma_semaphore, #tpu.memory_space<semaphore_mem>>)
    %dma_start3A_76 = arith.constant 1 : i32
    %dma_start3A_77 = arith.constant 0 : i32
    %dma_start3A_78 = tpu.memref_slice %arg6[%dma_start3A_76, %dma_start3A_77] : memref<40x128xi32, #tpu.memory_space<vmem>> -> memref<1x128xi32, #tpu.memory_space<vmem>>
    %dma_start3A_79 = tpu.memref_squeeze %dma_start3A_78 : memref<1x128xi32, #tpu.memory_space<vmem>> -> memref<128xi32, #tpu.memory_space<vmem>>
    %dma_start3A_80 = arith.constant 0 : i32
    %dma_start3A_81 = arith.constant 0 : i32
    %dma_start3A_82 = tpu.memref_slice %arg2[%dma_start3A_80, %dma_start3A_81] : memref<10240x128xf32, #tpu.memory_space<hbm>> -> memref<10240x128xf32, #tpu.memory_space<hbm>>
    tpu.enqueue_indirect_dma source(%dma_start3A_82 : memref<10240x128xf32, #tpu.memory_space<hbm>>) target(%arg9 : memref<128x128xf32, #tpu.memory_space<vmem>>) offsets(%dma_start3A_79 : memref<128xi32, #tpu.memory_space<vmem>>) semaphore(%arg12 : memref<!tpu.dma_semaphore, #tpu.memory_space<semaphore_mem>>)
    %scan3A_83 = arith.constant 0 : i32
    %scan3A_84 = arith.constant 0 : i32
    %scan3A_85 = arith.constant 19 : i32
    %scan3A_86 = arith.addi %scan3A_84, %scan3A_85 : i32
    %scan3A_87 = arith.constant 1 : i32
    scf.for %scan3A_110 = %scan3A_84 to %scan3A_86 step %scan3A_87  : i32 {
      %mul3A_111 = arith.constant 2 : i32
      %mul3A_112 = arith.muli %mul3A_111, %scan3A_110 : i32
      %add3A_113 = arith.constant 0 : i32
      %add3A_114 = arith.addi %mul3A_112, %add3A_113 : i32
      %dma_wait3A_115 = arith.constant 0 : i32
      %dma_wait3A_116 = tpu.memref_slice %arg6[%add3A_114, %dma_wait3A_115] : memref<40x128xi32, #tpu.memory_space<vmem>> -> memref<1x128xi32, #tpu.memory_space<vmem>>
      %dma_wait3A_117 = tpu.memref_squeeze %dma_wait3A_116 : memref<1x128xi32, #tpu.memory_space<vmem>> -> memref<128xi32, #tpu.memory_space<vmem>>
      %dma_wait3A_118 = arith.constant 0 : i32
      %dma_wait3A_119 = arith.constant 0 : i32
      %dma_wait3A_120 = tpu.memref_slice %arg2[%dma_wait3A_118, %dma_wait3A_119] : memref<10240x128xf32, #tpu.memory_space<hbm>> -> memref<10240x128xf32, #tpu.memory_space<hbm>>
      tpu.wait_indirect_dma semaphore(%arg11 : memref<!tpu.dma_semaphore, #tpu.memory_space<semaphore_mem>>) src(%dma_wait3A_120 : memref<10240x128xf32, #tpu.memory_space<hbm>>) dst(%arg8 : memref<128x128xf32, #tpu.memory_space<vmem>>)
      "tpu.region"() ({
        %run_scoped3A_147 = tpu.sem_alloc : memref<!tpu.dma_semaphore, #tpu.memory_space<semaphore_mem>>
        %dma_start3A_148 = arith.constant 0 : i32
        %dma_start3A_149 = tpu.memref_slice %arg7[%add3A_114, %dma_start3A_148] : memref<40x128xi32, #tpu.memory_space<vmem>> -> memref<1x128xi32, #tpu.memory_space<vmem>>
        %dma_start3A_150 = tpu.memref_squeeze %dma_start3A_149 : memref<1x128xi32, #tpu.memory_space<vmem>> -> memref<128xi32, #tpu.memory_space<vmem>>
        %dma_start3A_151 = arith.constant 0 : i32
        %dma_start3A_152 = arith.constant 0 : i32
        %dma_start3A_153 = tpu.memref_slice %arg10[%dma_start3A_151, %dma_start3A_152] : memref<10240x128xf32, #tpu.memory_space<vmem_shared>> -> memref<10240x128xf32, #tpu.memory_space<vmem_shared>>
        tpu.enqueue_indirect_dma source(%arg8 : memref<128x128xf32, #tpu.memory_space<vmem>>) target(%dma_start3A_153 : memref<10240x128xf32, #tpu.memory_space<vmem_shared>>) offsets(%dma_start3A_150 : memref<128xi32, #tpu.memory_space<vmem>>) semaphore(%run_scoped3A_147 : memref<!tpu.dma_semaphore, #tpu.memory_space<semaphore_mem>>) {add = true}
        %dma_wait3A_154 = arith.constant 0 : i32
        %dma_wait3A_155 = tpu.memref_slice %arg7[%add3A_114, %dma_wait3A_154] : memref<40x128xi32, #tpu.memory_space<vmem>> -> memref<1x128xi32, #tpu.memory_space<vmem>>
        %dma_wait3A_156 = tpu.memref_squeeze %dma_wait3A_155 : memref<1x128xi32, #tpu.memory_space<vmem>> -> memref<128xi32, #tpu.memory_space<vmem>>
        %dma_wait3A_157 = arith.constant 0 : i32
        %dma_wait3A_158 = arith.constant 0 : i32
        %dma_wait3A_159 = tpu.memref_slice %arg10[%dma_wait3A_157, %dma_wait3A_158] : memref<10240x128xf32, #tpu.memory_space<vmem_shared>> -> memref<10240x128xf32, #tpu.memory_space<vmem_shared>>
        tpu.wait_indirect_dma semaphore(%run_scoped3A_147 : memref<!tpu.dma_semaphore, #tpu.memory_space<semaphore_mem>>) src(%arg8 : memref<128x128xf32, #tpu.memory_space<vmem>>) dst(%dma_wait3A_159 : memref<10240x128xf32, #tpu.memory_space<vmem_shared>>)
        tpu.yield
      }) : () -> ()
      %add3A_121 = arith.constant 2 : i32
      %add3A_122 = arith.addi %add3A_114, %add3A_121 : i32
      %dma_start3A_123 = arith.constant 0 : i32
      %dma_start3A_124 = tpu.memref_slice %arg6[%add3A_122, %dma_start3A_123] : memref<40x128xi32, #tpu.memory_space<vmem>> -> memref<1x128xi32, #tpu.memory_space<vmem>>
      %dma_start3A_125 = tpu.memref_squeeze %dma_start3A_124 : memref<1x128xi32, #tpu.memory_space<vmem>> -> memref<128xi32, #tpu.memory_space<vmem>>
      %dma_start3A_126 = arith.constant 0 : i32
      %dma_start3A_127 = arith.constant 0 : i32
      %dma_start3A_128 = tpu.memref_slice %arg2[%dma_start3A_126, %dma_start3A_127] : memref<10240x128xf32, #tpu.memory_space<hbm>> -> memref<10240x128xf32, #tpu.memory_space<hbm>>
      tpu.enqueue_indirect_dma source(%dma_start3A_128 : memref<10240x128xf32, #tpu.memory_space<hbm>>) target(%arg8 : memref<128x128xf32, #tpu.memory_space<vmem>>) offsets(%dma_start3A_125 : memref<128xi32, #tpu.memory_space<vmem>>) semaphore(%arg11 : memref<!tpu.dma_semaphore, #tpu.memory_space<semaphore_mem>>)
      %mul3A_129 = arith.constant 2 : i32
      %mul3A_130 = arith.muli %mul3A_129, %scan3A_110 : i32
      %add3A_131 = arith.constant 1 : i32
      %add3A_132 = arith.addi %mul3A_130, %add3A_131 : i32
      %dma_wait3A_133 = arith.constant 0 : i32
      %dma_wait3A_134 = tpu.memref_slice %arg6[%add3A_132, %dma_wait3A_133] : memref<40x128xi32, #tpu.memory_space<vmem>> -> memref<1x128xi32, #tpu.memory_space<vmem>>
      %dma_wait3A_135 = tpu.memref_squeeze %dma_wait3A_134 : memref<1x128xi32, #tpu.memory_space<vmem>> -> memref<128xi32, #tpu.memory_space<vmem>>
      %dma_wait3A_136 = arith.constant 0 : i32
      %dma_wait3A_137 = arith.constant 0 : i32
      %dma_wait3A_138 = tpu.memref_slice %arg2[%dma_wait3A_136, %dma_wait3A_137] : memref<10240x128xf32, #tpu.memory_space<hbm>> -> memref<10240x128xf32, #tpu.memory_space<hbm>>
      tpu.wait_indirect_dma semaphore(%arg12 : memref<!tpu.dma_semaphore, #tpu.memory_space<semaphore_mem>>) src(%dma_wait3A_138 : memref<10240x128xf32, #tpu.memory_space<hbm>>) dst(%arg9 : memref<128x128xf32, #tpu.memory_space<vmem>>)
      "tpu.region"() ({
        %run_scoped3A_147 = tpu.sem_alloc : memref<!tpu.dma_semaphore, #tpu.memory_space<semaphore_mem>>
        %dma_start3A_148 = arith.constant 0 : i32
        %dma_start3A_149 = tpu.memref_slice %arg7[%add3A_132, %dma_start3A_148] : memref<40x128xi32, #tpu.memory_space<vmem>> -> memref<1x128xi32, #tpu.memory_space<vmem>>
        %dma_start3A_150 = tpu.memref_squeeze %dma_start3A_149 : memref<1x128xi32, #tpu.memory_space<vmem>> -> memref<128xi32, #tpu.memory_space<vmem>>
        %dma_start3A_151 = arith.constant 0 : i32
        %dma_start3A_152 = arith.constant 0 : i32
        %dma_start3A_153 = tpu.memref_slice %arg10[%dma_start3A_151, %dma_start3A_152] : memref<10240x128xf32, #tpu.memory_space<vmem_shared>> -> memref<10240x128xf32, #tpu.memory_space<vmem_shared>>
        tpu.enqueue_indirect_dma source(%arg9 : memref<128x128xf32, #tpu.memory_space<vmem>>) target(%dma_start3A_153 : memref<10240x128xf32, #tpu.memory_space<vmem_shared>>) offsets(%dma_start3A_150 : memref<128xi32, #tpu.memory_space<vmem>>) semaphore(%run_scoped3A_147 : memref<!tpu.dma_semaphore, #tpu.memory_space<semaphore_mem>>) {add = true}
        %dma_wait3A_154 = arith.constant 0 : i32
        %dma_wait3A_155 = tpu.memref_slice %arg7[%add3A_132, %dma_wait3A_154] : memref<40x128xi32, #tpu.memory_space<vmem>> -> memref<1x128xi32, #tpu.memory_space<vmem>>
        %dma_wait3A_156 = tpu.memref_squeeze %dma_wait3A_155 : memref<1x128xi32, #tpu.memory_space<vmem>> -> memref<128xi32, #tpu.memory_space<vmem>>
        %dma_wait3A_157 = arith.constant 0 : i32
        %dma_wait3A_158 = arith.constant 0 : i32
        %dma_wait3A_159 = tpu.memref_slice %arg10[%dma_wait3A_157, %dma_wait3A_158] : memref<10240x128xf32, #tpu.memory_space<vmem_shared>> -> memref<10240x128xf32, #tpu.memory_space<vmem_shared>>
        tpu.wait_indirect_dma semaphore(%run_scoped3A_147 : memref<!tpu.dma_semaphore, #tpu.memory_space<semaphore_mem>>) src(%arg9 : memref<128x128xf32, #tpu.memory_space<vmem>>) dst(%dma_wait3A_159 : memref<10240x128xf32, #tpu.memory_space<vmem_shared>>)
        tpu.yield
      }) : () -> ()
      %add3A_139 = arith.constant 2 : i32
      %add3A_140 = arith.addi %add3A_132, %add3A_139 : i32
      %dma_start3A_141 = arith.constant 0 : i32
      %dma_start3A_142 = tpu.memref_slice %arg6[%add3A_140, %dma_start3A_141] : memref<40x128xi32, #tpu.memory_space<vmem>> -> memref<1x128xi32, #tpu.memory_space<vmem>>
      %dma_start3A_143 = tpu.memref_squeeze %dma_start3A_142 : memref<1x128xi32, #tpu.memory_space<vmem>> -> memref<128xi32, #tpu.memory_space<vmem>>
      %dma_start3A_144 = arith.constant 0 : i32
      %dma_start3A_145 = arith.constant 0 : i32
      %dma_start3A_146 = tpu.memref_slice %arg2[%dma_start3A_144, %dma_start3A_145] : memref<10240x128xf32, #tpu.memory_space<hbm>> -> memref<10240x128xf32, #tpu.memory_space<hbm>>
      tpu.enqueue_indirect_dma source(%dma_start3A_146 : memref<10240x128xf32, #tpu.memory_space<hbm>>) target(%arg9 : memref<128x128xf32, #tpu.memory_space<vmem>>) offsets(%dma_start3A_143 : memref<128xi32, #tpu.memory_space<vmem>>) semaphore(%arg12 : memref<!tpu.dma_semaphore, #tpu.memory_space<semaphore_mem>>)
    }
    %scan3A_88 = arith.constant 19 : i32
    %dma_wait3A_89 = arith.constant 38 : i32
    %dma_wait3A_90 = arith.constant 0 : i32
    %dma_wait3A_91 = tpu.memref_slice %arg6[%dma_wait3A_89, %dma_wait3A_90] : memref<40x128xi32, #tpu.memory_space<vmem>> -> memref<1x128xi32, #tpu.memory_space<vmem>>
    %dma_wait3A_92 = tpu.memref_squeeze %dma_wait3A_91 : memref<1x128xi32, #tpu.memory_space<vmem>> -> memref<128xi32, #tpu.memory_space<vmem>>
    %dma_wait3A_93 = arith.constant 0 : i32
    %dma_wait3A_94 = arith.constant 0 : i32
    %dma_wait3A_95 = tpu.memref_slice %arg2[%dma_wait3A_93, %dma_wait3A_94] : memref<10240x128xf32, #tpu.memory_space<hbm>> -> memref<10240x128xf32, #tpu.memory_space<hbm>>
    tpu.wait_indirect_dma semaphore(%arg11 : memref<!tpu.dma_semaphore, #tpu.memory_space<semaphore_mem>>) src(%dma_wait3A_95 : memref<10240x128xf32, #tpu.memory_space<hbm>>) dst(%arg8 : memref<128x128xf32, #tpu.memory_space<vmem>>)
    %run_scoped3A_96 = arith.constant 38 : i32
    "tpu.region"() ({
      %run_scoped3A_110 = tpu.sem_alloc : memref<!tpu.dma_semaphore, #tpu.memory_space<semaphore_mem>>
      %dma_start3A_111 = arith.constant 0 : i32
      %dma_start3A_112 = tpu.memref_slice %arg7[%run_scoped3A_96, %dma_start3A_111] : memref<40x128xi32, #tpu.memory_space<vmem>> -> memref<1x128xi32, #tpu.memory_space<vmem>>
      %dma_start3A_113 = tpu.memref_squeeze %dma_start3A_112 : memref<1x128xi32, #tpu.memory_space<vmem>> -> memref<128xi32, #tpu.memory_space<vmem>>
      %dma_start3A_114 = arith.constant 0 : i32
      %dma_start3A_115 = arith.constant 0 : i32
      %dma_start3A_116 = tpu.memref_slice %arg10[%dma_start3A_114, %dma_start3A_115] : memref<10240x128xf32, #tpu.memory_space<vmem_shared>> -> memref<10240x128xf32, #tpu.memory_space<vmem_shared>>
      tpu.enqueue_indirect_dma source(%arg8 : memref<128x128xf32, #tpu.memory_space<vmem>>) target(%dma_start3A_116 : memref<10240x128xf32, #tpu.memory_space<vmem_shared>>) offsets(%dma_start3A_113 : memref<128xi32, #tpu.memory_space<vmem>>) semaphore(%run_scoped3A_110 : memref<!tpu.dma_semaphore, #tpu.memory_space<semaphore_mem>>) {add = true}
      %dma_wait3A_117 = arith.constant 0 : i32
      %dma_wait3A_118 = tpu.memref_slice %arg7[%run_scoped3A_96, %dma_wait3A_117] : memref<40x128xi32, #tpu.memory_space<vmem>> -> memref<1x128xi32, #tpu.memory_space<vmem>>
      %dma_wait3A_119 = tpu.memref_squeeze %dma_wait3A_118 : memref<1x128xi32, #tpu.memory_space<vmem>> -> memref<128xi32, #tpu.memory_space<vmem>>
      %dma_wait3A_120 = arith.constant 0 : i32
      %dma_wait3A_121 = arith.constant 0 : i32
      %dma_wait3A_122 = tpu.memref_slice %arg10[%dma_wait3A_120, %dma_wait3A_121] : memref<10240x128xf32, #tpu.memory_space<vmem_shared>> -> memref<10240x128xf32, #tpu.memory_space<vmem_shared>>
      tpu.wait_indirect_dma semaphore(%run_scoped3A_110 : memref<!tpu.dma_semaphore, #tpu.memory_space<semaphore_mem>>) src(%arg8 : memref<128x128xf32, #tpu.memory_space<vmem>>) dst(%dma_wait3A_122 : memref<10240x128xf32, #tpu.memory_space<vmem_shared>>)
      tpu.yield
    }) : () -> ()
    %dma_wait3A_97 = arith.constant 39 : i32
    %dma_wait3A_98 = arith.constant 0 : i32
    %dma_wait3A_99 = tpu.memref_slice %arg6[%dma_wait3A_97, %dma_wait3A_98] : memref<40x128xi32, #tpu.memory_space<vmem>> -> memref<1x128xi32, #tpu.memory_space<vmem>>
    %dma_wait3A_100 = tpu.memref_squeeze %dma_wait3A_99 : memref<1x128xi32, #tpu.memory_space<vmem>> -> memref<128xi32, #tpu.memory_space<vmem>>
    %dma_wait3A_101 = arith.constant 0 : i32
    %dma_wait3A_102 = arith.constant 0 : i32
    %dma_wait3A_103 = tpu.memref_slice %arg2[%dma_wait3A_101, %dma_wait3A_102] : memref<10240x128xf32, #tpu.memory_space<hbm>> -> memref<10240x128xf32, #tpu.memory_space<hbm>>
    tpu.wait_indirect_dma semaphore(%arg12 : memref<!tpu.dma_semaphore, #tpu.memory_space<semaphore_mem>>) src(%dma_wait3A_103 : memref<10240x128xf32, #tpu.memory_space<hbm>>) dst(%arg9 : memref<128x128xf32, #tpu.memory_space<vmem>>)
    %run_scoped3A_104 = arith.constant 39 : i32
    "tpu.region"() ({
      %run_scoped3A_110 = tpu.sem_alloc : memref<!tpu.dma_semaphore, #tpu.memory_space<semaphore_mem>>
      %dma_start3A_111 = arith.constant 0 : i32
      %dma_start3A_112 = tpu.memref_slice %arg7[%run_scoped3A_104, %dma_start3A_111] : memref<40x128xi32, #tpu.memory_space<vmem>> -> memref<1x128xi32, #tpu.memory_space<vmem>>
      %dma_start3A_113 = tpu.memref_squeeze %dma_start3A_112 : memref<1x128xi32, #tpu.memory_space<vmem>> -> memref<128xi32, #tpu.memory_space<vmem>>
      %dma_start3A_114 = arith.constant 0 : i32
      %dma_start3A_115 = arith.constant 0 : i32
      %dma_start3A_116 = tpu.memref_slice %arg10[%dma_start3A_114, %dma_start3A_115] : memref<10240x128xf32, #tpu.memory_space<vmem_shared>> -> memref<10240x128xf32, #tpu.memory_space<vmem_shared>>
      tpu.enqueue_indirect_dma source(%arg9 : memref<128x128xf32, #tpu.memory_space<vmem>>) target(%dma_start3A_116 : memref<10240x128xf32, #tpu.memory_space<vmem_shared>>) offsets(%dma_start3A_113 : memref<128xi32, #tpu.memory_space<vmem>>) semaphore(%run_scoped3A_110 : memref<!tpu.dma_semaphore, #tpu.memory_space<semaphore_mem>>) {add = true}
      %dma_wait3A_117 = arith.constant 0 : i32
      %dma_wait3A_118 = tpu.memref_slice %arg7[%run_scoped3A_104, %dma_wait3A_117] : memref<40x128xi32, #tpu.memory_space<vmem>> -> memref<1x128xi32, #tpu.memory_space<vmem>>
      %dma_wait3A_119 = tpu.memref_squeeze %dma_wait3A_118 : memref<1x128xi32, #tpu.memory_space<vmem>> -> memref<128xi32, #tpu.memory_space<vmem>>
      %dma_wait3A_120 = arith.constant 0 : i32
      %dma_wait3A_121 = arith.constant 0 : i32
      %dma_wait3A_122 = tpu.memref_slice %arg10[%dma_wait3A_120, %dma_wait3A_121] : memref<10240x128xf32, #tpu.memory_space<vmem_shared>> -> memref<10240x128xf32, #tpu.memory_space<vmem_shared>>
      tpu.wait_indirect_dma semaphore(%run_scoped3A_110 : memref<!tpu.dma_semaphore, #tpu.memory_space<semaphore_mem>>) src(%arg9 : memref<128x128xf32, #tpu.memory_space<vmem>>) dst(%dma_wait3A_122 : memref<10240x128xf32, #tpu.memory_space<vmem_shared>>)
      tpu.yield
    }) : () -> ()
    %barrier3A_105 = arith.constant 0 : index
    tpu.barrier barrier_id(%barrier3A_105)
    %mul3A_106 = arith.constant 640 : i32
    %mul3A_107 = arith.muli %arg1, %mul3A_106 : i32
    %mul3A_108 = arith.constant 640 : i32
    %mul3A_109 = arith.muli %arg1, %mul3A_108 : i32
    "tpu.region"() ({
      %run_scoped3A_110 = tpu.sem_alloc : memref<!tpu.dma_semaphore, #tpu.memory_space<semaphore_mem>>
      %dma_start3A_111 = arith.constant 0 : i32
      %dma_start3A_112 = tpu.memref_slice %arg5[%arg0, %mul3A_109, %dma_start3A_111] : memref<2x10240x128xf32, #tpu.memory_space<hbm>> -> memref<1x640x128xf32, #tpu.memory_space<hbm>>
      %dma_start3A_113 = tpu.memref_squeeze %dma_start3A_112 : memref<1x640x128xf32, #tpu.memory_space<hbm>> -> memref<640x128xf32, #tpu.memory_space<hbm>>
      %dma_start3A_114 = arith.constant 0 : i32
      %dma_start3A_115 = tpu.memref_slice %arg10[%mul3A_107, %dma_start3A_114] : memref<10240x128xf32, #tpu.memory_space<vmem_shared>> -> memref<640x128xf32, #tpu.memory_space<vmem_shared>>
      tpu.enqueue_dma source(%dma_start3A_115 : memref<640x128xf32, #tpu.memory_space<vmem_shared>>) target(%dma_start3A_113 : memref<640x128xf32, #tpu.memory_space<hbm>>) target_semaphore(%run_scoped3A_110 : memref<!tpu.dma_semaphore, #tpu.memory_space<semaphore_mem>>)
      %dma_wait3A_116 = arith.constant 0 : i32
      %dma_wait3A_117 = tpu.memref_slice %arg5[%arg0, %mul3A_109, %dma_wait3A_116] : memref<2x10240x128xf32, #tpu.memory_space<hbm>> -> memref<1x640x128xf32, #tpu.memory_space<hbm>>
      %dma_wait3A_118 = tpu.memref_squeeze %dma_wait3A_117 : memref<1x640x128xf32, #tpu.memory_space<hbm>> -> memref<640x128xf32, #tpu.memory_space<hbm>>
      %dma_wait3A_119 = arith.constant 0 : i32
      %dma_wait3A_120 = tpu.memref_slice %arg10[%mul3A_107, %dma_wait3A_119] : memref<10240x128xf32, #tpu.memory_space<vmem_shared>> -> memref<640x128xf32, #tpu.memory_space<vmem_shared>>
      tpu.wait_dma2 semaphore(%run_scoped3A_110 : memref<!tpu.dma_semaphore, #tpu.memory_space<semaphore_mem>>) src(%dma_wait3A_120 : memref<640x128xf32, #tpu.memory_space<vmem_shared>>) dst(%dma_wait3A_118 : memref<640x128xf32, #tpu.memory_space<hbm>>)
      tpu.yield
    }) : () -> ()
    return
  }
}

module attributes {stable_mosaic.version = 14 : i64} {
  func.func @_add_body(%arg0: i32, %arg1: memref<1024x128xf32, #tpu.memory_space<vmem>>, %arg2: memref<1024x128xf32, #tpu.memory_space<vmem>>, %arg3: memref<1024x128xf32, #tpu.memory_space<vmem>>) attributes {dimension_semantics = [#tpu.dimension_semantics<arbitrary>], iteration_bounds = array<i64: 10>, scalar_prefetch = 0 : i64, scratch_operands = 0 : i64, tpu.core_type = #tpu.core_type<tc>, window_params = [{transform_indices = @transform_0, window_bounds = array<i64: 1024, 128>}, {transform_indices = @transform_1, window_bounds = array<i64: 1024, 128>}, {transform_indices = @transform_2, window_bounds = array<i64: 1024, 128>}]} {
    %get3A = arith.constant 0 : index
    %get3A_0 = arith.constant 0 : index
    %get3A_1 = vector.load %arg1[%get3A, %get3A_0] : memref<1024x128xf32, #tpu.memory_space<vmem>>, vector<1024x128xf32>
    %get3A_2 = arith.constant 0 : index
    %get3A_3 = arith.constant 0 : index
    %get3A_4 = vector.load %arg2[%get3A_2, %get3A_3] : memref<1024x128xf32, #tpu.memory_space<vmem>>, vector<1024x128xf32>
    %add3A = arith.addf %get3A_1, %get3A_4 : vector<1024x128xf32>
    %swap3A = arith.constant 0 : index
    %swap3A_5 = arith.constant 0 : index
    %swap3A_6 = vector.load %arg3[%swap3A, %swap3A_5] : memref<1024x128xf32, #tpu.memory_space<vmem>>, vector<1024x128xf32>
    tpu.vector_store %arg3[%swap3A, %swap3A_5], %add3A {strides = array<i32>} : memref<1024x128xf32, #tpu.memory_space<vmem>>, vector<1024x128xf32>,
    return
  }
  func.func @transform_0(%arg0: i32) -> (i32, i32) {
    %c0_i32 = arith.constant 0 : i32
    %c0_i32_0 = arith.constant 0 : i32
    return %arg0, %c0_i32 : i32, i32
  }
  func.func @transform_1(%arg0: i32) -> (i32, i32) {
    %c0_i32 = arith.constant 0 : i32
    %c0_i32_0 = arith.constant 0 : i32
    return %arg0, %c0_i32 : i32, i32
  }
  func.func @transform_2(%arg0: i32) -> (i32, i32) {
    %c0_i32 = arith.constant 0 : i32
    %c0_i32_0 = arith.constant 0 : i32
    return %arg0, %c0_i32 : i32, i32
  }
}

</mosaic_0001>

<sc_bundles>
// kernel: kernel.4.cloned.1.call-start
scs
__scs_entry_jumppad:
0x0: {  	(pc) =	sbr.rel $0x88, $3  }
0x1: {  	(tag) =	ssettag $0x0;
	lr =	simm.s32 $0x1  }
0x2: {  	[smem:$0x3F9F] =	sst lr;
	_ =	strace $0xD0000000  }
0x3: {  	_ = 	snop  }
0x4: {  	_ = 	snop  }
0x5: {  	_ = 	snop  }
0x6: {  	_ = 	snop  }
0x7: {  	_ = 	snop  }
__scs_overlays_trampoline_lowered:
0x8: {  	[smem:$0x3FAE] =	sst s0  }
0x9: {  	[smem:$0x3FAF] =	sst s1  }
0xa: {  	[smem:$0x3FB0] =	sst s2  }
0xb: {  	[smem:$0x3FB1] =	sst s3  }
0xc: {  	[smem:$0x3FB2] =	sst s4  }
0xd: {  	[smem:$0x3FB3] =	sst s5  }
0xe: {  	[smem:$0x3FB4] =	sst s6  }
0xf: {  	[smem:$0x3FB5] =	sst s7  }
0x10: {  	[smem:$0x3FB6] =	sst s8  }
0x11: {  	[smem:$0x3FB7] =	sst s9;
	s0 =	simm.s32 @!p0 $0x0  }
0x12: {  	s1 =	sld [smem:$0x3F9D];
	s0 =	simm.s32 @p0 $0x1  }
0x13: {  	[smem:$0x3FB8] =	sst s0;
	s0 =	simm.s32 @!p1 $0x0  }
0x14: {  	s2 =	sld [smem:$0x3F9C];
	s0 =	simm.s32 @p1 $0x1  }
0x15: {  	[smem:$0x3FB9] =	sst s0;
	s0 =	simm.s32 @!p2 $0x0  }
0x16: {  	s3 =	sld [smem:$0x3FDB];
	s0 =	simm.s32 @p2 $0x1  }
0x17: {  	s4 =	simm.s32 $0x1BF5;
	[smem:$0x3FBB] =	sst s0  }
0x18: {  	s0 =	sld [smem:$0x3F9E];
	_ =	swait.ge [sflag:s4], $0x0  }
0x19: {  	s7 =	sld [smem:$0x3F9F]  }
0x1a: {  	s8 =	sadd.s32 $0xFFFFE003, lr  }
0x1b: {  	s9 =	sadd.s32 $0xFFFFFEF7, lr;
	s5 =	simm.s32 $0xFFFFFFFF;
	p2 =	slt.u32 s8, $0xFFFFF086  }
0x1c: {  	p1 =	slt.u32 s9, $0xF7A;
	s5 =	simm.s32 @!p2 $0x0  }
0x1d: {  	s5 =	simm.s32 @p1 $0x1;
	p0 =	seq.s32 s7, s2  }
0x1e: {  	s7 =	smul.u32 @!p0 $0xF7A, s2;
	p2 =	seq.s32 @!p0 s5, $0x0  }
0x1f: {  	s9 =	smul.u32 $0xF7A, s1;
	s8 =	simm.s32 @!p0 $0x1BF5;
	p2 =	por !p2, p0  }
0x20: {  	[sflag:s8] =	ssyncset.s32 @!p0 $0xFFFFF086;
	s6 =	sadd.s32 @!p0 s3, s7;
	s7 =	simm.s32 @!p0 $0x108  }
0x21: {  	s3 =	sadd.s32 s3, s9;
	s6 =	sadd.s32 @!p0 $0x88, s6;
	s7 =	simm.s32 @p2 $0x1082  }
0x22: {  	[simem:s7], [sflag:s8] =	dma.local @!p0 [hbm:s6], $0xF7A  }
0x23: {  	s9 =	sor.u32 $0xD0000000, s2;
	s6 =	simm.s32 $0x108;
	_ =	swait.ge @!p0 [sflag:s8], $0x0  }
0x24: {  	s3 =	sadd.s32 $0x88, s3;
	s6 =	simm.s32 @!p1 $0x1082;
	[sflag:s4] =	ssyncset.s32 $0xFFFFF086  }
0x25: {  	[simem:s6], [sflag:s4] =	dma.local [hbm:s3], $0xF7A  }
0x26: {  	[smem:$0x3F9F] =	sst s1;
	(tag) =	ssettag s2;
	_ =	strace s9  }
0x27: {  	s1 =	sld [smem:$0x3FAF]  }
0x28: {  	s2 =	sld [smem:$0x3FB0]  }
0x29: {  	s4 =	sld [smem:$0x3FB2]  }
0x2a: {  	p0 =	seq.s32 s5, $0x0;
	s5 =	sld [smem:$0x3FB3]  }
0x2b: {  	s6 =	sld [smem:$0x3FB4]  }
0x2c: {  	s7 =	sld [smem:$0x3FB5]  }
0x2d: {  	s3 =	simm.s32 $0x108;
	s8 =	sld [smem:$0x3FB6]  }
0x2e: {  	s3 =	simm.s32 @!p0 $0x1082;
	s9 =	sld [smem:$0x3FB7]  }
0x2f: {  	lr =	sadd.s32 s0, s3;
	s0 =	sld [smem:$0x3FAE]  }
0x30: {  	s3 =	sld [smem:$0x3FB1]  }
0x31: {  	[smem:$0x3FBA] =	sst s10  }
0x32: {  	s10 =	sld [smem:$0x3FB8];
	_ =	sdelay $0x3  }
0x33: {  	p0 =	seq.s32 s10, $0x1;
	s10 =	sld [smem:$0x3FBA];
	_ =	sdelay $0x3  }
0x34: {  	[smem:$0x3FBA] =	sst s10  }
0x35: {  	s10 =	sld [smem:$0x3FB9];
	_ =	sdelay $0x3  }
0x36: {  	p1 =	seq.s32 s10, $0x1;
	s10 =	sld [smem:$0x3FBA];
	_ =	sdelay $0x3  }
0x37: {  	[smem:$0x3FBA] =	sst s10  }
0x38: {  	s10 =	sld [smem:$0x3FBB]  }
0x39: {  	_ = 	snop;
	(pc) =	sbr.ind lr, $3  }
0x3a: {  	_ = 	snop  }
0x3b: {  	_ = 	snop  }
0x3c: {  	p2 =	seq.s32 s10, $0x1;
	s10 =	sld [smem:$0x3FBA]  }
0x3d: {  	_ =	shalt  }
0x3e: {  	_ =	shalt  }
0x3f: {  	_ =	shalt  }
0x40: {  	_ =	shalt  }
0x41: {  	_ =	shalt  }
0x42: {  	_ =	shalt  }
0x43: {  	_ =	shalt  }
0x44: {  	_ =	shalt  }
0x45: {  	_ =	shalt  }
0x46: {  	_ =	shalt  }
0x47: {  	_ =	shalt  }
0x48: {  	_ =	shalt  }
0x49: {  	_ =	shalt  }
0x4a: {  	_ =	shalt  }
0x4b: {  	_ =	shalt  }
0x4c: {  	_ =	shalt  }
0x4d: {  	_ =	shalt  }
0x4e: {  	_ =	shalt  }
0x4f: {  	_ =	shalt  }
0x50: {  	_ =	shalt  }
0x51: {  	_ =	shalt  }
0x52: {  	_ =	shalt  }
0x53: {  	_ =	shalt  }
0x54: {  	_ =	shalt  }
0x55: {  	_ =	shalt  }
0x56: {  	_ =	shalt  }
0x57: {  	_ =	shalt  }
0x58: {  	_ =	shalt  }
0x59: {  	_ =	shalt  }
0x5a: {  	_ =	shalt  }
0x5b: {  	_ =	shalt  }
0x5c: {  	_ =	shalt  }
0x5d: {  	_ =	shalt  }
0x5e: {  	_ =	shalt  }
0x5f: {  	_ =	shalt  }
0x60: {  	_ =	shalt  }
0x61: {  	_ =	shalt  }
0x62: {  	_ =	shalt  }
0x63: {  	_ =	shalt  }
0x64: {  	_ =	shalt  }
0x65: {  	_ =	shalt  }
0x66: {  	_ =	shalt  }
0x67: {  	_ =	shalt  }
0x68: {  	_ =	shalt  }
0x69: {  	_ =	shalt  }
0x6a: {  	_ =	shalt  }
0x6b: {  	_ =	shalt  }
0x6c: {  	_ =	shalt  }
0x6d: {  	_ =	shalt  }
0x6e: {  	_ =	shalt  }
0x6f: {  	_ =	shalt  }
0x70: {  	_ =	shalt  }
0x71: {  	_ =	shalt  }
0x72: {  	_ =	shalt  }
0x73: {  	_ =	shalt  }
0x74: {  	_ =	shalt  }
0x75: {  	_ =	shalt  }
0x76: {  	_ =	shalt  }
0x77: {  	_ =	shalt  }
0x78: {  	_ =	shalt  }
0x79: {  	_ =	shalt  }
0x7a: {  	_ =	shalt  }
0x7b: {  	_ =	shalt  }
0x7c: {  	_ =	shalt  }
0x7d: {  	_ =	shalt  }
0x7e: {  	_ =	shalt  }
0x7f: {  	_ =	shalt  }
0x80: {  	_ =	shalt  }
0x81: {  	_ =	shalt  }
0x82: {  	_ =	shalt  }
0x83: {  	_ =	shalt  }
0x84: {  	_ =	shalt  }
0x85: {  	_ =	shalt  }
0x86: {  	_ =	shalt  }
0x87: {  	_ =	shalt  }
.Lfunc_end0:
.L_simem_size_0:
called_computation_lowered:
.L_overlay_start_0:
0x88: {  	s2 =	sld [smem:$0x3FD9]  }
0x89: {  	s3 =	sld [smem:$0x3FFE];
	_ =	sdelay $0x1  }
0x8a: {  	s1 =	srdreg.scid  }
0x8b: {  	s0 =	sand.u32 $0x1, s1  }
0x8c: {  	s17 =	sshll.u32 s0, $0xA;
	s2 =	sadd.s32 s3, s2  }
0x8d: {  	s2 =	sadd.s32 s2, s17  }
0x8e: {  	[smem:$0x3FC6] =	sst s2  }
0x8f: {  	_ = 	snop  }
0x90: {  	s2 =	sld [smem:$0x3FD0];
	(tm) =	ssettm $0x1  }
0x91: {  	s18 =	sld [smem:$0x3FFB];
	_ =	sdelay $0x3  }
0x92: {  	_ =	strace s18  }
0x93: {  	s3 =	sld [smem:$0x3FFC];
	_ =	sdelay $0x3  }
0x94: {  	_ =	strace s3  }
0x95: {  	s3 =	sld [smem:$0x3FFD];
	_ =	sdelay $0x3  }
0x96: {  	_ =	strace s3  }
0x97: {  	_ =	strace $0x8FFFFFFF  }
0x98: {  	s19 =	sld [smem:$0x3FDB];
	_ =	sdelay $0x1  }
0x99: {  	s4 =	simm.s32 $_scs_section_size  }
0x9a: {  	s5 =	simm.s32 $_size__tile_overlayer_lowered;
	s6 =	simm.s32 $_tile_overlayer_lowered  }
0x9b: {  	s22 =	simm.s32 $0x1BFF;
	s21 =	sshll.u32 s6, $0x1;
	s3 =	sadd.s32 s4, s19  }
0x9c: {  	s7 =	simm.s32 $0x0;
	s20 =	sshll.u32 s5, $0x1;
	s5 =	sadd.s32 s21, s3  }
0x9d: {  	[timem:s7], [sflag:s22] =	dma.local [hbm:s5], s20  }
0x9e: {  	_ =	swait.ge [sflag:s22], s20  }
0x9f: {  	s4 =	ssub.s32 $0x0, s20;
	[sflag:s22] =	ssyncset.done $0x0  }
0xa0: {  	[sflag:s22] =	ssyncadd.s32 s4;
	_ =	sdelay $0x1  }
0xa1: {  	s23 =	simm.s32 $0x1B8B  }
0xa2: {  	_ =	swait.ge [sflag:s23], $0x1  }
0xa3: {  	[sflag:s23] =	ssyncset.done $0x0  }
0xa4: {  	s25 =	simm.s32 $0x1B8E;
	s24 =	sld [smem:$0x3FFE];
	[sflag:s23] =	ssyncadd.s32 $0xFFFFFFFF  }
0xa5: {  	s26 =	simm.s32 $execute0_lowered;
	[smem:$0x3FD2] =	sst s25  }
0xa6: {  	s5 =	sshll.u32 s26, $0x1;
	_ =	strace $0x80000046;
	[dreg:$0x1] =	wrdreg $0xFFFFFFFF  }
0xa7: {  	s28 =	simm.s32 $_size_execute0_lowered;
	s3 =	sadd.s32 s3, s5;
	[dreg:$0x0] =	wrdreg $0x0  }
0xa8: {  	s5 =	sshll.u32 s28, $0x1;
	[dreg:$0x2] =	wrdreg s3  }
0xa9: {  	[dreg:$0x3] =	wrdreg s5  }
0xaa: {  	[dreg:$0x4] =	wrdreg $0xC0  }
0xab: {  	_ =	task [dreg:s7], $0x5FFFF  }
0xac: {  	[dreg:$0x1] =	wrdreg $0xFFFFFFFF  }
0xad: {  	[dreg:$0x0] =	wrdreg $0x60  }
0xae: {  	[dreg:$0x2] =	wrdreg s24  }
0xaf: {  	[dreg:$0x3] =	wrdreg s2  }
0xb0: {  	[dreg:$0x4] =	wrdreg $0xA8000  }
0xb1: {  	[dreg:$0x5] =	wrdreg $0x9  }
0xb2: {  	_ =	task.clear_ibuf [dreg:s7], $0x6FFFF;
	_ =	strace $0x90000046  }
0xb3: {  	s29 =	simm.s32 $0x9;
	_ =	strace $0x80000048  }
0xb4: {  	_ =	swait.ge [sflag:s29], $0x1  }
0xb5: {  	[sflag:s29] =	ssyncadd.s32 $0xFFFFFFFF  }
0xb6: {  	_ =	strace $0x90000048  }
0xb7: {  	_ =	sfence  }
0xb8: {  	s30 =	sld [smem:$0x0];
	_ =	sdelay $0x2  }
0xb9: {  	s31 =	sshll.u32 s1, $0xD;
	s1 =	sshrl.u32 s1, $0x2  }
0xba: {  	s3 =	sand.u32 $0x4000, s31;
	s1 =	sadd.s32 s1, s30  }
0xbb: {  	s0 =	sor.u32 s3, s0;
	s1 =	sshll.u32 s1, $0x11  }
0xbc: {  	s0 =	sor.u32 s1, s0  }
0xbd: {  	s0 =	sadd.s32 $0x8F2B, s0  }
0xbe: {  	[sflag:s0] =	ssyncadd.remote.s32 $0x1  }
0xbf: {  	_ =	sfence.sel $0xFFFF  }
0xc0: {  	[dreg:$0x0] =	wrdreg $0xFFFFFFFF;
	(pc) =	sbr.abs _section_cstart, $3  }
0xc1: {  	[dreg:$0x1] =	wrdreg $0xFFFFFFFF  }
0xc2: {  	_ =	task.clear_ibuf [dreg:s7], $0x2FFFF;
	_ =	strace $0x9FFFFFFF  }
0xc3: {  	(tm) =	ssettm $0x7FFFFFFF  }
tec
execute0_lowered:
.L_overlay_start_1:
0x0: {  	(tag) =	ssettag $0x1  }
0x1: {  	s5 =	rddreg [dreg:$0x0]  }
0x2: {  	s13 =	rddreg [dreg:$0x1]  }
0x3: {  	s1 =	rddreg [dreg:$0x2]  }
0x4: {  	s2 =	srdreg.scid;
	s0 =	rddreg [dreg:$0x3]  }
0x5: {  	s3 =	simm.s32 $0x0;
	s17 =	simm.s32 $0x3;
	s18 =	simm.s32 $0x1400  }
0x6: {  	s19 =	simm.s32 $0x80;
	s20 =	simm.s32 $0x6800;
	s6 =	sand.u32 $0x1, s2  }
0x7: {  	s21 =	simm.s32 $0x1;
	s2 =	stileid.u32;
	s7 =	smul.u32 $0x140000, s6  }
0x8: {  	s22 =	simm.s32 $0x2;
	s23 =	simm.s32 $0x2700;
	s8 =	smul.u32 $0x14000, s2  }
0x9: {  	s24 =	simm.s32 $0x2780;
	[smem:$0x7FF] =	sst s3;
	s9 =	smul.u32 $0x500, s6  }
0xa: {  	s4 =	sadd.s32 $0x200, s5;
	s12 =	sadd.s32 $0x28200, s5;
	s28 =	smul.u32 $0x50000, s2  }
0xb: {  	_ =	strace $0x80000047;
	s6 =	ssub.s32 $0x2, s6;
	s10 =	smul.u32 $0x50, s2  }
0xc: {  	s29 =	sshrl.u32 s6, $0x1;
	s7 =	sadd.s32 s8, s7;
	s30 =	sshrl.u32 s28, $0x2  }
0xd: {  	s15 =	ssub.s32 s6, s29;
	s31 =	sadd.s32 s10, s9;
	s7 =	sshrl.u32 s7, $0x3  }
0xe: {  	s11 =	sshll.u32 s31, $0x4;
	s15 =	smax.u32 s15, $0x1;
	s14 =	sadd.s32 s7, s5  }
0xf: {  	s5 =	sadd.s32 s30, s1;
	s16 =	sadd.s32 $0x280, s11;
	s10 =	sadd.s32 s12, s11  }
0x10: {  	s11 =	sadd.s32 s13, s11;
	s6 =	sadd.s32 $0x4000, s5;
	s7 =	sadd.s32 $0x8000, s5  }
0x11: {  	s8 =	sadd.s32 $0xC000, s5;
	s9 =	sadd.s32 $0x10000, s5;
	s12 =	sadd.s32 s12, s16  }
0x12: {  	v0 =	vimm.f32 $0.0e+00;
	s13 =	sadd.s32 s13, s16;
	s14 =	sadd.s32 $0x32200, s14;
	s16 =	simm.s32 $0x2800  }
.LBB2_1:
0x13: {  	s25 =	simm.s32 $0x0;
	s26 =	simm.s32 $0x200  }
.LBB2_2:
0x14: {  	p0 =	sne.s32 s26, $0xFE00;
	[tilespmem:s25+$0x2870] =	vst v0  }
0x15: {  	[tilespmem:s25+$0x2800] =	vst v0  }
0x16: {  	[tilespmem:s25+$0x2810] =	vst v0  }
.Ltmp0:
0x17: {  	[tilespmem:s25+$0x2820] =	vst v0;
	(pc) =	sbr.rel @p0 .LBB2_2-.Ltmp0, $4  }
0x18: {  	[tilespmem:s25+$0x2830] =	vst v0  }
0x19: {  	[tilespmem:s25+$0x2840] =	vst v0  }
0x1a: {  	[tilespmem:s25+$0x2850] =	vst v0  }
0x1b: {  	[tilespmem:s25+$0x2860] =	vst v0;
	s25 =	sshra.s32 s26, $0x2;
	s26 =	sadd.s32 $0x200, s26  }
0x1c: {  	[tilespmem:s25+$0x2870] =	vst v0  }
0x1d: {  	[tilespmem:s25+$0x2800] =	vst v0  }
0x1e: {  	[tilespmem:s25+$0x2810] =	vst v0  }
0x1f: {  	[tilespmem:s25+$0x2820] =	vst v0  }
0x20: {  	[tilespmem:s25+$0x2830] =	vst v0  }
0x21: {  	[tilespmem:s25+$0x2840] =	vst v0  }
0x22: {  	[tilespmem:s25+$0x2850] =	vst v0  }
0x23: {  	[tilespmem:s25+$0x2860] =	vst v0  }
0x24: {  	[spmem:s5] =	stream.linear.scatter [tilespmem:s16], [sflag:$0x3], $0x4000, $0x38;
	[tilespmem:$0x1E800] =	vst v63  }
0x25: {  	_ =	swait.ge [sflag:s17], $0x4000  }
0x26: {  	[sflag:s17] =	ssyncset.done $0x0  }
0x27: {  	[sflag:s17] =	ssyncadd.s32 $0xFFFFC000  }
0x28: {  	[spmem:s6] =	stream.linear.scatter [tilespmem:s16], [sflag:$0x3], $0x4000, $0x38;
	[tilespmem:$0x1E800] =	vst v63  }
0x29: {  	_ =	swait.ge [sflag:s17], $0x4000  }
0x2a: {  	[sflag:s17] =	ssyncset.done $0x0  }
0x2b: {  	[sflag:s17] =	ssyncadd.s32 $0xFFFFC000  }
0x2c: {  	[spmem:s7] =	stream.linear.scatter [tilespmem:s16], [sflag:$0x3], $0x4000, $0x38;
	[tilespmem:$0x1E800] =	vst v63  }
0x2d: {  	_ =	swait.ge [sflag:s17], $0x4000  }
0x2e: {  	[sflag:s17] =	ssyncset.done $0x0  }
0x2f: {  	[sflag:s17] =	ssyncadd.s32 $0xFFFFC000  }
0x30: {  	[spmem:s8] =	stream.linear.scatter [tilespmem:s16], [sflag:$0x3], $0x4000, $0x38;
	[tilespmem:$0x1E800] =	vst v63  }
0x31: {  	_ =	swait.ge [sflag:s17], $0x4000  }
0x32: {  	[sflag:s17] =	ssyncset.done $0x0  }
0x33: {  	[sflag:s17] =	ssyncadd.s32 $0xFFFFC000  }
0x34: {  	[spmem:s9] =	stream.linear.scatter [tilespmem:s16], [sflag:$0x3], $0x4000, $0x38;
	[tilespmem:$0x1E800] =	vst v63  }
0x35: {  	_ =	swait.ge [sflag:s17], $0x4000  }
0x36: {  	[sflag:s17] =	ssyncset.done $0x0  }
0x37: {  	[sflag:s17] =	ssyncadd.s32 $0xFFFFC000  }
0x38: {  	s28 =	simm.s32 $0x0;
	[bflag:$0x0] =	sbarrier.arrive $0xFFFF  }
0x39: {  	[tilespmem:s28], [sflag:$0x3] =	stream.linear.gather [hbm4b:s10+s28], $0x1400, $0x38;
	[tilespmem:$0x1E800] =	vst v63  }
0x3a: {  	_ =	swait.ge [sflag:s17], $0x1400  }
0x3b: {  	[sflag:s17] =	ssyncset.done $0x0  }
0x3c: {  	[sflag:s17] =	ssyncadd.s32 $0xFFFFEC00  }
0x3d: {  	[tilespmem:s18], [sflag:$0x3] =	stream.linear.gather [hbm4b:s11+s28], $0x1400, $0x38;
	[tilespmem:$0x1E800] =	vst v63  }
0x3e: {  	_ =	swait.ge [sflag:s17], $0x1400  }
0x3f: {  	[sflag:s17] =	ssyncset.done $0x0  }
0x40: {  	[sflag:s17] =	ssyncadd.s32 $0xFFFFEC00  }
0x41: {  	[tilespmem:s16], [sflag:$0x1] =	stream.indirect.gather [hbm4b:s4+s19], $0x80, s28, s19, $0xb8;
	[tilespmem:$0x1E800] =	vst v63  }
0x42: {  	_ = 	snop  }
0x43: {  	[tilespmem:s20], [sflag:$0x2] =	stream.indirect.gather [hbm4b:s4+s19], $0x80, s19, s19, $0xb8;
	[tilespmem:$0x1E800] =	vst v63  }
0x44: {  	_ =	swait.ge [sflag:s21], $0x4000  }
0x45: {  	[sflag:s21] =	ssyncset.done $0x0  }
0x46: {  	s29 =	simm.s32 $0x1400;
	[sflag:s21] =	ssyncadd.s32 $0xFFFFC000  }
0x47: {  	[spmem:s1] =	stream.indirect.scatter.add.f32 [tilespmem:s16], [sflag:$0x3], $0x80, s29, s19, $0xb8;
	[tilespmem:$0x1E800] =	vst v63  }
0x48: {  	_ =	swait.ge [sflag:s17], $0x4000  }
0x49: {  	[sflag:s17] =	ssyncset.done $0x0  }
0x4a: {  	s30 =	simm.s32 $0x100;
	[sflag:s17] =	ssyncadd.s32 $0xFFFFC000  }
0x4b: {  	[tilespmem:s16], [sflag:$0x1] =	stream.indirect.gather [hbm4b:s4+s19], $0x80, s30, s19, $0xb8;
	[tilespmem:$0x1E800] =	vst v63  }
0x4c: {  	_ =	swait.ge [sflag:s22], $0x4000  }
0x4d: {  	[sflag:s22] =	ssyncset.done $0x0  }
0x4e: {  	s31 =	simm.s32 $0x1480;
	[sflag:s22] =	ssyncadd.s32 $0xFFFFC000  }
0x4f: {  	[spmem:s1] =	stream.indirect.scatter.add.f32 [tilespmem:s20], [sflag:$0x3], $0x80, s31, s19, $0xb8;
	[tilespmem:$0x1E800] =	vst v63  }
0x50: {  	_ =	swait.ge [sflag:s17], $0x4000  }
0x51: {  	[sflag:s17] =	ssyncset.done $0x0  }
0x52: {  	s25 =	simm.s32 $0x400;
	s26 =	simm.s32 $0x180;
	[sflag:s17] =	ssyncadd.s32 $0xFFFFC000  }
.LBB2_4:
0x53: {  	[tilespmem:s20], [sflag:$0x2] =	stream.indirect.gather [hbm4b:s4+s19], $0x80, s26, s19, $0xb8;
	[tilespmem:$0x1E800] =	vst v63  }
0x54: {  	s26 =	smov.u32 s25  }
0x55: {  	p0 =	sne.s32 s25, $0x4800;
	s25 =	sadd.s32 $0x400, s25;
	_ =	swait.ge [sflag:s21], $0x4000  }
0x56: {  	s26 =	sshra.s32 s26, $0x2;
	[sflag:s21] =	ssyncset.done $0x0  }
0x57: {  	s28 =	sadd.s32 $0x1400, s26;
	[sflag:s21] =	ssyncadd.s32 $0xFFFFC000  }
0x58: {  	[spmem:s1] =	stream.indirect.scatter.add.f32 [tilespmem:s16], [sflag:$0x3], $0x80, s28, s19, $0xb8;
	[tilespmem:$0x1E800] =	vst v63  }
0x59: {  	_ =	swait.ge [sflag:s17], $0x4000  }
0x5a: {  	[sflag:s17] =	ssyncset.done $0x0  }
0x5b: {  	s28 =	sadd.s32 $0x100, s26;
	[sflag:s17] =	ssyncadd.s32 $0xFFFFC000  }
0x5c: {  	[tilespmem:s16], [sflag:$0x1] =	stream.indirect.gather [hbm4b:s4+s19], $0x80, s28, s19, $0xb8;
	[tilespmem:$0x1E800] =	vst v63  }
0x5d: {  	_ =	swait.ge [sflag:s22], $0x4000  }
0x5e: {  	[sflag:s22] =	ssyncset.done $0x0  }
.Ltmp1:
0x5f: {  	s28 =	sadd.s32 $0x1480, s26;
	[sflag:s22] =	ssyncadd.s32 $0xFFFFC000;
	(pc) =	sbr.rel @p0 .LBB2_4-.Ltmp1, $4  }
0x60: {  	[spmem:s1] =	stream.indirect.scatter.add.f32 [tilespmem:s20], [sflag:$0x3], $0x80, s28, s19, $0xb8;
	[tilespmem:$0x1E800] =	vst v63  }
0x61: {  	_ =	swait.ge [sflag:s17], $0x4000  }
0x62: {  	[sflag:s17] =	ssyncset.done $0x0  }
0x63: {  	s26 =	sadd.s32 $0x180, s26;
	[sflag:s17] =	ssyncadd.s32 $0xFFFFC000  }
0x64: {  	[tilespmem:s20], [sflag:$0x2] =	stream.indirect.gather [hbm4b:s4+s19], $0x80, s26, s19, $0xb8;
	[tilespmem:$0x1E800] =	vst v63  }
0x65: {  	_ =	swait.ge [sflag:s21], $0x4000  }
0x66: {  	[sflag:s21] =	ssyncset.done $0x0  }
0x67: {  	[sflag:s21] =	ssyncadd.s32 $0xFFFFC000  }
0x68: {  	[spmem:s1] =	stream.indirect.scatter.add.f32 [tilespmem:s16], [sflag:$0x3], $0x80, s23, s19, $0xb8;
	[tilespmem:$0x1E800] =	vst v63  }
0x69: {  	_ =	swait.ge [sflag:s17], $0x4000  }
0x6a: {  	[sflag:s17] =	ssyncset.done $0x0  }
0x6b: {  	[sflag:s17] =	ssyncadd.s32 $0xFFFFC000  }
0x6c: {  	_ =	swait.ge [sflag:s22], $0x4000  }
0x6d: {  	[sflag:s22] =	ssyncset.done $0x0  }
0x6e: {  	[sflag:s22] =	ssyncadd.s32 $0xFFFFC000  }
0x6f: {  	[spmem:s1] =	stream.indirect.scatter.add.f32 [tilespmem:s20], [sflag:$0x3], $0x80, s24, s19, $0xb8;
	[tilespmem:$0x1E800] =	vst v63  }
0x70: {  	_ =	swait.ge [sflag:s17], $0x4000  }
0x71: {  	[sflag:s17] =	ssyncset.done $0x0  }
0x72: {  	s25 =	simm.s32 $0x0;
	[sflag:s17] =	ssyncadd.s32 $0xFFFFC000  }
0x73: {  	[tilespmem:s25], [sflag:$0x3] =	stream.linear.gather [hbm4b:s12+s25], $0x1400, $0x38;
	[tilespmem:$0x1E800] =	vst v63  }
0x74: {  	_ =	swait.ge [sflag:s17], $0x1400  }
0x75: {  	[sflag:s17] =	ssyncset.done $0x0  }
0x76: {  	[sflag:s17] =	ssyncadd.s32 $0xFFFFEC00  }
0x77: {  	[tilespmem:s18], [sflag:$0x3] =	stream.linear.gather [hbm4b:s13+s25], $0x1400, $0x38;
	[tilespmem:$0x1E800] =	vst v63  }
0x78: {  	_ =	swait.ge [sflag:s17], $0x1400  }
0x79: {  	[sflag:s17] =	ssyncset.done $0x0  }
0x7a: {  	[sflag:s17] =	ssyncadd.s32 $0xFFFFEC00  }
0x7b: {  	[tilespmem:s16], [sflag:$0x1] =	stream.indirect.gather [hbm4b:s4+s19], $0x80, s25, s19, $0xb8;
	[tilespmem:$0x1E800] =	vst v63  }
0x7c: {  	_ = 	snop  }
0x7d: {  	[tilespmem:s20], [sflag:$0x2] =	stream.indirect.gather [hbm4b:s4+s19], $0x80, s19, s19, $0xb8;
	[tilespmem:$0x1E800] =	vst v63  }
0x7e: {  	_ =	swait.ge [sflag:s21], $0x4000  }
0x7f: {  	[sflag:s21] =	ssyncset.done $0x0  }
0x80: {  	s29 =	simm.s32 $0x1400;
	[sflag:s21] =	ssyncadd.s32 $0xFFFFC000  }
0x81: {  	[spmem:s1] =	stream.indirect.scatter.add.f32 [tilespmem:s16], [sflag:$0x3], $0x80, s29, s19, $0xb8;
	[tilespmem:$0x1E800] =	vst v63  }
0x82: {  	_ =	swait.ge [sflag:s17], $0x4000  }
0x83: {  	[sflag:s17] =	ssyncset.done $0x0  }
0x84: {  	s30 =	simm.s32 $0x100;
	[sflag:s17] =	ssyncadd.s32 $0xFFFFC000  }
0x85: {  	[tilespmem:s16], [sflag:$0x1] =	stream.indirect.gather [hbm4b:s4+s19], $0x80, s30, s19, $0xb8;
	[tilespmem:$0x1E800] =	vst v63  }
0x86: {  	_ =	swait.ge [sflag:s22], $0x4000  }
0x87: {  	[sflag:s22] =	ssyncset.done $0x0  }
0x88: {  	s31 =	simm.s32 $0x1480;
	[sflag:s22] =	ssyncadd.s32 $0xFFFFC000  }
0x89: {  	[spmem:s1] =	stream.indirect.scatter.add.f32 [tilespmem:s20], [sflag:$0x3], $0x80, s31, s19, $0xb8;
	[tilespmem:$0x1E800] =	vst v63  }
0x8a: {  	_ =	swait.ge [sflag:s17], $0x4000  }
0x8b: {  	[sflag:s17] =	ssyncset.done $0x0  }
0x8c: {  	s26 =	simm.s32 $0x180;
	s25 =	simm.s32 $0x400;
	[sflag:s17] =	ssyncadd.s32 $0xFFFFC000  }
.LBB2_6:
0x8d: {  	[tilespmem:s20], [sflag:$0x2] =	stream.indirect.gather [hbm4b:s4+s19], $0x80, s26, s19, $0xb8;
	[tilespmem:$0x1E800] =	vst v63  }
0x8e: {  	s26 =	smov.u32 s25  }
0x8f: {  	p0 =	sne.s32 s25, $0x4800;
	s25 =	sadd.s32 $0x400, s25;
	_ =	swait.ge [sflag:s21], $0x4000  }
0x90: {  	s26 =	sshra.s32 s26, $0x2;
	[sflag:s21] =	ssyncset.done $0x0  }
0x91: {  	s28 =	sadd.s32 $0x1400, s26;
	[sflag:s21] =	ssyncadd.s32 $0xFFFFC000  }
0x92: {  	[spmem:s1] =	stream.indirect.scatter.add.f32 [tilespmem:s16], [sflag:$0x3], $0x80, s28, s19, $0xb8;
	[tilespmem:$0x1E800] =	vst v63  }
0x93: {  	_ =	swait.ge [sflag:s17], $0x4000  }
0x94: {  	[sflag:s17] =	ssyncset.done $0x0  }
0x95: {  	s28 =	sadd.s32 $0x100, s26;
	[sflag:s17] =	ssyncadd.s32 $0xFFFFC000  }
0x96: {  	[tilespmem:s16], [sflag:$0x1] =	stream.indirect.gather [hbm4b:s4+s19], $0x80, s28, s19, $0xb8;
	[tilespmem:$0x1E800] =	vst v63  }
0x97: {  	_ =	swait.ge [sflag:s22], $0x4000  }
0x98: {  	[sflag:s22] =	ssyncset.done $0x0  }
.Ltmp2:
0x99: {  	s28 =	sadd.s32 $0x1480, s26;
	[sflag:s22] =	ssyncadd.s32 $0xFFFFC000;
	(pc) =	sbr.rel @p0 .LBB2_6-.Ltmp2, $4  }
0x9a: {  	[spmem:s1] =	stream.indirect.scatter.add.f32 [tilespmem:s20], [sflag:$0x3], $0x80, s28, s19, $0xb8;
	[tilespmem:$0x1E800] =	vst v63  }
0x9b: {  	_ =	swait.ge [sflag:s17], $0x4000  }
0x9c: {  	[sflag:s17] =	ssyncset.done $0x0  }
0x9d: {  	s26 =	sadd.s32 $0x180, s26;
	[sflag:s17] =	ssyncadd.s32 $0xFFFFC000  }
0x9e: {  	[tilespmem:s20], [sflag:$0x2] =	stream.indirect.gather [hbm4b:s4+s19], $0x80, s26, s19, $0xb8;
	[tilespmem:$0x1E800] =	vst v63  }
0x9f: {  	_ =	swait.ge [sflag:s21], $0x4000  }
0xa0: {  	[sflag:s21] =	ssyncset.done $0x0  }
0xa1: {  	[sflag:s21] =	ssyncadd.s32 $0xFFFFC000  }
0xa2: {  	[spmem:s1] =	stream.indirect.scatter.add.f32 [tilespmem:s16], [sflag:$0x3], $0x80, s23, s19, $0xb8;
	[tilespmem:$0x1E800] =	vst v63  }
0xa3: {  	_ =	swait.ge [sflag:s17], $0x4000  }
0xa4: {  	[sflag:s17] =	ssyncset.done $0x0  }
0xa5: {  	[sflag:s17] =	ssyncadd.s32 $0xFFFFC000  }
0xa6: {  	_ =	swait.ge [sflag:s22], $0x4000  }
0xa7: {  	[sflag:s22] =	ssyncset.done $0x0  }
0xa8: {  	[sflag:s22] =	ssyncadd.s32 $0xFFFFC000  }
0xa9: {  	[spmem:s1] =	stream.indirect.scatter.add.f32 [tilespmem:s20], [sflag:$0x3], $0x80, s24, s19, $0xb8;
	[tilespmem:$0x1E800] =	vst v63  }
0xaa: {  	_ =	swait.ge [sflag:s17], $0x4000  }
0xab: {  	s25 =	sshll.u32 s2, $0x6;
	s3 =	sadd.s32 $0x1, s3;
	[sflag:s17] =	ssyncset.done $0x0  }
0xac: {  	s31 =	sshrl.u32 s5, $0x3;
	p0 =	sne.s32 s3, s15;
	[sflag:s17] =	ssyncadd.s32 $0xFFFFC000  }
.Ltmp3:
0xad: {  	s25 =	sor.u32 $0x1C03, s25;
	[bflag:$0x0] =	sbarrier.arrive $0xFFFF;
	(pc) =	sbr.rel @p0 .LBB2_1-.Ltmp3, $4  }
0xae: {  	[hbm:s14], [sflag:s25] =	dma.local [spmem:s31], $0x2800  }
0xaf: {  	_ =	swait.ge [sflag:s17], $0x2800  }
0xb0: {  	[sflag:s17] =	ssyncset.done $0x0  }
0xb1: {  	[sflag:s17] =	ssyncadd.s32 $0xFFFFD800  }
0xb2: {  	_ =	sfence.sel $0x180000  }
0xb3: {  	[bflag:$0x0] =	sbarrier.arrive $0xFFFF  }
0xb4: {  	p0 =	sne.s32 s2, $0x0;
	_ =	strace $0x90000047  }
0xb5: {  	s0 =	sadd.s32 @!p0 $0x100000, s0;
	[bflag:$0x2] =	sbarrier.arrive $0xFFFF  }
0xb6: {  	[sflag:s0] =	ssyncadd.tile.s32 @!p0 $0x1;
	_ =	shalt  }
.Lfunc_end2:
_tile_overlayer_lowered:
.L_overlay_start_2:
0xb7: {  	(tag) =	ssettag $0x2  }
0xb8: {  	s0 =	rddreg [dreg:$0x0];
	s2 =	stileid.u32  }
0xb9: {  	s1 =	rddreg [dreg:$0x1];
	p0 =	sne.s32 s2, $0x0  }
0xba: {  	s3 =	rddreg [dreg:$0x2];
	[bflag:$0x3] =	sbarrier.arrive $0xFFFF;
	s2 =	simm.s32 @!p0 $0x1C03  }
0xbb: {  	[timem:s3], [sflag:s2] =	dma.local @!p0 [hbm:s0], s1  }
0xbc: {  	s0 =	simm.s32 @!p0 $0x3  }
0xbd: {  	_ =	swait.ge @!p0 [sflag:s0], s1  }
0xbe: {  	s1 =	ssub.s32 @!p0 $0x0, s1;
	[sflag:s0] =	ssyncset.done @!p0 $0x0  }
0xbf: {  	[sflag:s0] =	ssyncadd.s32 @!p0 s1  }
0xc0: {  	[bflag:$0x3] =	sbarrier.arrive $0xFFFF  }
0xc1: {  	_ =	shalt  }

</sc_bundles>
